<compile_context>
chip_gen: v7x
topology: tpu7x:2x2x1
jax: 0.10.2.dev20260603
libtpu: 0.0.44.dev20260713+nightly
codegen_flags: <defaults>
</compile_context>

<pallas_src>
import functools

import jax
import jax.numpy as jnp
from jax import lax
from jax.experimental import pallas as pl
from jax.experimental.pallas import tpu as pltpu
from jax.experimental.pallas import tpu_sc as plsc

_N_NODES = 10000
_SPIRAL = 32
_C = 128

_NW = 32
_NPW_HI = 313
_NPW_LO = 312
_CHUNK_NODES = 4
_CHUNK = _CHUNK_NODES * _SPIRAL
_NFULL = _NPW_LO // _CHUNK_NODES
_N8 = _N_NODES // 8

_NBUF = 2
_LEAD = 1


def _make_gather():
    mesh = plsc.VectorSubcoreMesh(core_axis_name="c", subcore_axis_name="s")

    scratch = (
        [pltpu.VMEM((_NPW_HI * _SPIRAL,), jnp.int32)]
        + [pltpu.VMEM((_CHUNK, _C), jnp.float32) for _ in range(_NBUF)]
        + [pltpu.VMEM((_SPIRAL, _C), jnp.float32)]
        + [pltpu.SemaphoreType.DMA for _ in range(2 * _NBUF + 1)]
        + [pltpu.VMEM_SHARED((_N_NODES, _C), jnp.float32),
           pltpu.SemaphoreType.DMA]
    )

    @functools.partial(
        pl.kernel,
        mesh=mesh,
        out_type=jax.ShapeDtypeStruct((_N8, _SPIRAL, 8, _C), jnp.float32),
        scratch_types=scratch,
    )
    def gather_rows(table_hbm, idx_hbm, out_hbm, idx_v, *refs):
        bufs = refs[:_NBUF]
        tbuf = refs[_NBUF]
        gsem = refs[_NBUF + 1:2 * _NBUF + 1]
        ssem = refs[2 * _NBUF + 1:3 * _NBUF + 1]
        tsem = refs[3 * _NBUF + 1]
        table_spm = refs[3 * _NBUF + 2]
        stage_sem = refs[3 * _NBUF + 3]

        sid = lax.axis_index("s")
        wid = sid * 2 + lax.axis_index("c")
        nstart = wid * _NPW_LO + jnp.maximum(wid - _NW // 2, 0)
        base = nstart * _SPIRAL

        @pl.when(sid == 0)
        def _():
            pltpu.async_copy(table_hbm, table_spm, stage_sem).wait()

        pltpu.sync_copy(
            idx_hbm.at[pl.ds(base, _NPW_HI * _SPIRAL)], idx_v)
        plsc.subcore_barrier()

        def start_gather(j, b):
            start = pl.multiple_of(j * _CHUNK, _CHUNK)
            pltpu.async_copy(
                table_spm.at[idx_v.at[pl.ds(start, _CHUNK)]], bufs[b],
                gsem[b])

        def wait_gather(b):
            pltpu.make_async_copy(
                table_hbm.at[pl.ds(0, _CHUNK)], bufs[b], gsem[b]).wait()

        def start_store(j, b):
            for q in range(_CHUNK_NODES):
                n = nstart + j * _CHUNK_NODES + q
                pltpu.async_copy(
                    bufs[b].at[pl.ds(q * _SPIRAL, _SPIRAL)],
                    out_hbm.at[n // 8, :, n % 8, :],
                    ssem[b])

        def wait_store(b):
            pltpu.make_async_copy(
                table_hbm.at[pl.ds(0, _CHUNK)], bufs[b], ssem[b]).wait()

        for j in range(_LEAD):
            start_gather(j, j % _NBUF)

        @pl.when(wid >= _NW // 2)
        def _():
            start = pl.multiple_of(_NFULL * _CHUNK, _SPIRAL)
            pltpu.async_copy(
                table_spm.at[idx_v.at[pl.ds(start, _SPIRAL)]], tbuf, tsem)

        for j in range(_LEAD):
            wait_gather(j % _NBUF)
            start_store(j, j % _NBUF)
            start_gather(j + _LEAD, (j + _LEAD) % _NBUF)

        def group_body(g, carry):
            jg = _LEAD + g * _NBUF
            for b in range(_NBUF):
                j = jg + b
                slot = (_LEAD + b) % _NBUF
                wait_gather(slot)
                start_store(j, slot)
                wait_store(b)
                start_gather(j + _LEAD, b)
            return carry

        n_groups = (_NFULL - 2 * _LEAD) // _NBUF
        lax.fori_loop(0, n_groups, group_body, 0)

        for j in range(_NFULL - _LEAD, _NFULL):
            slot = j % _NBUF
            wait_gather(slot)
            start_store(j, slot)
            wait_store((j + _LEAD) % _NBUF)
        for j in range(_NFULL - _LEAD, _NFULL):
            wait_store(j % _NBUF)

        @pl.when(wid >= _NW // 2)
        def _():
            pltpu.make_async_copy(
                table_hbm.at[pl.ds(0, _SPIRAL)], tbuf, tsem).wait()
            n = nstart + _NFULL * _CHUNK_NODES
            pltpu.sync_copy(tbuf, out_hbm.at[n // 8, :, n % 8, :])

    return gather_rows


_GATHER = _make_gather()


def kernel(inputs, indices):
    table = inputs.reshape(_N_NODES, _C)
    idx_flat = indices.astype(jnp.int32).reshape(-1)
    out = _GATHER(table, idx_flat)
    return (out.transpose(0, 2, 1, 3)
            .reshape(1, _N_NODES, _SPIRAL * _C))

# --- scband reference (transcript-rebuilt; emitter-appended) ---
"""Pipeline reference for scband-spiral-conv-25220047962397 (READ-ONLY COPY).

The authoritative reference and input builder live on the scoring server;
editing this copy changes nothing except your own understanding.
"""

import jax, jax.numpy as jnp
import numpy as np

N_NODES = 10000
SPIRAL_LEN = 32
IN_CHANNELS = 128
BATCH = 1

def setup_inputs(seed: int = 0) -> dict:
    key = jax.random.key(seed)
    k1, k2 = jax.random.split(key)
    inputs = jax.random.normal(k1, (BATCH, N_NODES, IN_CHANNELS), dtype=jnp.float32)
    indices = jax.random.randint(k2, (N_NODES, SPIRAL_LEN), 0, N_NODES, dtype=jnp.int64)
    return {"inputs": inputs, "indices": indices}

def reference(inputs, indices):
    # Faithful translation of SpiralConv.call:
    #   x = tf.reshape(tf.gather(inputs, tf.reshape(indices, [-1]), axis=1),
    #                  [batch_size, nodes, in_channels * spiral_len])
    batch_size = inputs.shape[0]
    nodes, spiral_len = indices.shape
    in_channels = inputs.shape[-1]
    flat_idx = indices.reshape(-1)
    gathered = jnp.take(inputs, flat_idx, axis=1)  # [B, nodes*spiral_len, C]
    x = gathered.reshape(batch_size, nodes, in_channels * spiral_len)
    return x

if __name__ == "__main__":
    import jax
    _d = setup_inputs()
    print(jax.jit(kernel)(*tuple(_d.values())))

</pallas_src>

<mosaic_0001>
#map = affine_map<(d0, d1) -> (0, 0)>
#map1 = affine_map<(d0, d1) -> (0)>
#map2 = affine_map<(d0, d1) -> (0, 0, 0, 0)>
module attributes {stable_mosaic.version = 14 : i64} {
  func.func @gather_rows(%arg0: i32, %arg1: i32, %arg2: memref<10000x128xf32, #tpu.memory_space<hbm>>, %arg3: memref<320000xi32, #tpu.memory_space<hbm>>, %arg4: memref<1250x32x8x128xf32, #tpu.memory_space<hbm>>, %arg5: memref<10016xi32, #tpu.memory_space<vmem>>, %arg6: memref<128x128xf32, #tpu.memory_space<vmem>>, %arg7: memref<128x128xf32, #tpu.memory_space<vmem>>, %arg8: memref<32x128xf32, #tpu.memory_space<vmem>>, %arg9: memref<!tpu.dma_semaphore, #tpu.memory_space<semaphore_mem>>, %arg10: memref<!tpu.dma_semaphore, #tpu.memory_space<semaphore_mem>>, %arg11: memref<!tpu.dma_semaphore, #tpu.memory_space<semaphore_mem>>, %arg12: memref<!tpu.dma_semaphore, #tpu.memory_space<semaphore_mem>>, %arg13: memref<!tpu.dma_semaphore, #tpu.memory_space<semaphore_mem>>, %arg14: memref<10000x128xf32, #tpu.memory_space<vmem_shared>>, %arg15: memref<!tpu.dma_semaphore, #tpu.memory_space<semaphore_mem>>) attributes {dimension_semantics = [#tpu.dimension_semantics<core_parallel>, #tpu.dimension_semantics<subcore_parallel>], iteration_bounds = array<i64: 2, 16>, scalar_prefetch = 0 : i64, scratch_operands = 11 : i64, tpu.core_type = #tpu.core_type<sc_vector_subcore>, window_params = [{transform_indices = #map}, {transform_indices = #map1}, {transform_indices = #map2}]} {
    %mul3A = arith.constant 2 : i32
    %mul3A_0 = arith.muli %arg1, %mul3A : i32
    %add3A = arith.addi %mul3A_0, %arg0 : i32
    %mul3A_1 = arith.constant 312 : i32
    %mul3A_2 = arith.muli %add3A, %mul3A_1 : i32
    %sub3A = arith.constant 16 : i32
    %sub3A_3 = arith.subi %add3A, %sub3A : i32
    %max3A = arith.constant 0 : i32
    %max3A_4 = arith.maxsi %sub3A_3, %max3A : i32
    %add3A_5 = arith.addi %mul3A_2, %max3A_4 : i32
    %mul3A_6 = arith.constant 32 : i32
    %mul3A_7 = arith.muli %add3A_5, %mul3A_6 : i32
    %eq3A = arith.constant 0 : i32
    %eq3A_8 = arith.cmpi eq, %arg1, %eq3A : i32
    %convert_element_type3A = arith.extui %eq3A_8 : i1 to i32
    %cond3A = arith.constant 0 : i32
    %cond3A_9 = arith.cmpi ne, %convert_element_type3A, %cond3A : i32
    scf.if %cond3A_9 {
      tpu.enqueue_dma source(%arg2 : memref<10000x128xf32, #tpu.memory_space<hbm>>) target(%arg14 : memref<10000x128xf32, #tpu.memory_space<vmem_shared>>) target_semaphore(%arg15 : memref<!tpu.dma_semaphore, #tpu.memory_space<semaphore_mem>>)
      tpu.wait_dma2 semaphore(%arg15 : memref<!tpu.dma_semaphore, #tpu.memory_space<semaphore_mem>>) src(%arg2 : memref<10000x128xf32, #tpu.memory_space<hbm>>) dst(%arg14 : memref<10000x128xf32, #tpu.memory_space<vmem_shared>>)
    } else {
    }
    "tpu.region"() ({
      %run_scoped3A = tpu.sem_alloc : memref<!tpu.dma_semaphore, #tpu.memory_space<semaphore_mem>>
      %dma_start3A_513 = tpu.memref_slice %arg3[%mul3A_7] : memref<320000xi32, #tpu.memory_space<hbm>> -> memref<10016xi32, #tpu.memory_space<hbm>>
      %dma_start3A_514 = tpu.memref_slice %arg3[%mul3A_7] : memref<320000xi32, #tpu.memory_space<hbm>> -> memref<10016xi32, #tpu.memory_space<hbm>>
      tpu.enqueue_dma source(%dma_start3A_514 : memref<10016xi32, #tpu.memory_space<hbm>>) target(%arg5 : memref<10016xi32, #tpu.memory_space<vmem>>) target_semaphore(%run_scoped3A : memref<!tpu.dma_semaphore, #tpu.memory_space<semaphore_mem>>)
      %dma_wait3A_515 = tpu.memref_slice %arg3[%mul3A_7] : memref<320000xi32, #tpu.memory_space<hbm>> -> memref<10016xi32, #tpu.memory_space<hbm>>
      %dma_wait3A_516 = tpu.memref_slice %arg3[%mul3A_7] : memref<320000xi32, #tpu.memory_space<hbm>> -> memref<10016xi32, #tpu.memory_space<hbm>>
      tpu.wait_dma2 semaphore(%run_scoped3A : memref<!tpu.dma_semaphore, #tpu.memory_space<semaphore_mem>>) src(%dma_wait3A_516 : memref<10016xi32, #tpu.memory_space<hbm>>) dst(%arg5 : memref<10016xi32, #tpu.memory_space<vmem>>)
      tpu.yield
    }) : () -> ()
    %barrier3A = arith.constant 0 : index
    tpu.barrier barrier_id(%barrier3A)
    %multiple_of3A = arith.constant 0 : i32
    %multiple_of3A_10 = tpu.assume_multiple %multiple_of3A, 128 : i32
    %dma_start3A = tpu.memref_slice %arg5[%multiple_of3A_10] : memref<10016xi32, #tpu.memory_space<vmem>> -> memref<128xi32, #tpu.memory_space<vmem>>
    %dma_start3A_11 = arith.constant 0 : i32
    %dma_start3A_12 = arith.constant 0 : i32
    %dma_start3A_13 = tpu.memref_slice %arg14[%dma_start3A_11, %dma_start3A_12] : memref<10000x128xf32, #tpu.memory_space<vmem_shared>> -> memref<10000x128xf32, #tpu.memory_space<vmem_shared>>
    tpu.enqueue_indirect_dma source(%dma_start3A_13 : memref<10000x128xf32, #tpu.memory_space<vmem_shared>>) target(%arg6 : memref<128x128xf32, #tpu.memory_space<vmem>>) offsets(%dma_start3A : memref<128xi32, #tpu.memory_space<vmem>>) semaphore(%arg9 : memref<!tpu.dma_semaphore, #tpu.memory_space<semaphore_mem>>)
    %ge3A = arith.constant 16 : i32
    %ge3A_14 = arith.cmpi sge, %add3A, %ge3A : i32
    %convert_element_type3A_15 = arith.extui %ge3A_14 : i1 to i32
    %cond3A_16 = arith.constant 0 : i32
    %cond3A_17 = arith.cmpi ne, %convert_element_type3A_15, %cond3A_16 : i32
    scf.if %cond3A_17 {
      %multiple_of3A_513 = arith.constant 9984 : i32
      %multiple_of3A_514 = tpu.assume_multiple %multiple_of3A_513, 32 : i32
      %dma_start3A_515 = tpu.memref_slice %arg5[%multiple_of3A_514] : memref<10016xi32, #tpu.memory_space<vmem>> -> memref<32xi32, #tpu.memory_space<vmem>>
      %dma_start3A_516 = arith.constant 0 : i32
      %dma_start3A_517 = arith.constant 0 : i32
      %dma_start3A_518 = tpu.memref_slice %arg14[%dma_start3A_516, %dma_start3A_517] : memref<10000x128xf32, #tpu.memory_space<vmem_shared>> -> memref<10000x128xf32, #tpu.memory_space<vmem_shared>>
      tpu.enqueue_indirect_dma source(%dma_start3A_518 : memref<10000x128xf32, #tpu.memory_space<vmem_shared>>) target(%arg8 : memref<32x128xf32, #tpu.memory_space<vmem>>) offsets(%dma_start3A_515 : memref<32xi32, #tpu.memory_space<vmem>>) semaphore(%arg13 : memref<!tpu.dma_semaphore, #tpu.memory_space<semaphore_mem>>)
    } else {
    }
    %dma_wait3A = arith.constant 0 : i32
    %dma_wait3A_18 = arith.constant 0 : i32
    %dma_wait3A_19 = tpu.memref_slice %arg2[%dma_wait3A, %dma_wait3A_18] : memref<10000x128xf32, #tpu.memory_space<hbm>> -> memref<128x128xf32, #tpu.memory_space<hbm>>
    %dma_wait3A_20 = arith.constant 0 : i32
    %dma_wait3A_21 = arith.constant 0 : i32
    %dma_wait3A_22 = tpu.memref_slice %arg2[%dma_wait3A_20, %dma_wait3A_21] : memref<10000x128xf32, #tpu.memory_space<hbm>> -> memref<128x128xf32, #tpu.memory_space<hbm>>
    tpu.wait_dma2 semaphore(%arg9 : memref<!tpu.dma_semaphore, #tpu.memory_space<semaphore_mem>>) src(%dma_wait3A_22 : memref<128x128xf32, #tpu.memory_space<hbm>>) dst(%arg6 : memref<128x128xf32, #tpu.memory_space<vmem>>)
    %add3A_23 = arith.constant 0 : i32
    %add3A_24 = arith.addi %add3A_5, %add3A_23 : i32
    %add3A_25 = arith.constant 0 : i32
    %add3A_26 = arith.addi %add3A_24, %add3A_25 : i32
    %jit3A = arith.constant 8 : i32
    %div3A = arith.divsi %add3A_26, %jit3A : i32
    %sign3A = arith.constant 0 : i32
    %sign3A_27 = arith.cmpi sgt, %add3A_26, %sign3A : i32
    %sign3A_28 = arith.extui %sign3A_27 : i1 to i32
    %sign3A_29 = arith.constant 0 : i32
    %sign3A_30 = arith.cmpi slt, %add3A_26, %sign3A_29 : i32
    %sign3A_31 = arith.extui %sign3A_30 : i1 to i32
    %sign3A_32 = arith.subi %sign3A_28, %sign3A_31 : i32
    %sign3A_33 = arith.constant 0 : i32
    %sign3A_34 = arith.cmpi sgt, %jit3A, %sign3A_33 : i32
    %sign3A_35 = arith.extui %sign3A_34 : i1 to i32
    %sign3A_36 = arith.constant 0 : i32
    %sign3A_37 = arith.cmpi slt, %jit3A, %sign3A_36 : i32
    %sign3A_38 = arith.extui %sign3A_37 : i1 to i32
    %sign3A_39 = arith.subi %sign3A_35, %sign3A_38 : i32
    %ne3A = arith.cmpi ne, %sign3A_32, %sign3A_39 : i32
    %rem3A = arith.remsi %add3A_26, %jit3A : i32
    %ne3A_40 = arith.constant 0 : i32
    %ne3A_41 = arith.cmpi ne, %rem3A, %ne3A_40 : i32
    %and3A = arith.andi %ne3A, %ne3A_41 : i1
    %sub3A_42 = arith.constant 1 : i32
    %sub3A_43 = arith.subi %div3A, %sub3A_42 : i32
    %select_n3A = arith.select %and3A, %sub3A_43, %div3A : i32
    %jit3A_44 = arith.constant 8 : i32
    %eq3A_45 = arith.constant 0 : i32
    %eq3A_46 = arith.cmpi eq, %jit3A_44, %eq3A_45 : i32
    %jit3A_47 = arith.constant 1 : i32
    %select_n3A_48 = arith.select %eq3A_46, %jit3A_47, %jit3A_44 : i32
    %rem3A_49 = arith.remsi %add3A_26, %select_n3A_48 : i32
    %ne3A_50 = arith.constant 0 : i32
    %ne3A_51 = arith.cmpi ne, %rem3A_49, %ne3A_50 : i32
    %lt3A = arith.constant 0 : i32
    %lt3A_52 = arith.cmpi slt, %rem3A_49, %lt3A : i32
    %lt3A_53 = arith.constant 0 : i32
    %lt3A_54 = arith.cmpi slt, %select_n3A_48, %lt3A_53 : i32
    %ne3A_55 = arith.xori %lt3A_52, %lt3A_54 : i1
    %and3A_56 = arith.andi %ne3A_55, %ne3A_51 : i1
    %add3A_57 = arith.addi %rem3A_49, %select_n3A_48 : i32
    %select_n3A_58 = arith.select %and3A_56, %add3A_57, %rem3A_49 : i32
    %dma_start3A_59 = arith.constant 0 : i32
    %dma_start3A_60 = arith.constant 0 : i32
    %dma_start3A_61 = tpu.memref_slice %arg6[%dma_start3A_59, %dma_start3A_60] : memref<128x128xf32, #tpu.memory_space<vmem>> -> memref<32x128xf32, #tpu.memory_space<vmem>>
    %dma_start3A_62 = arith.constant 0 : i32
    %dma_start3A_63 = arith.constant 0 : i32
    %dma_start3A_64 = tpu.memref_slice %arg4[%select_n3A, %dma_start3A_62, %select_n3A_58, %dma_start3A_63] : memref<1250x32x8x128xf32, #tpu.memory_space<hbm>> -> memref<1x32x1x128xf32, #tpu.memory_space<hbm>>
    %dma_start3A_65 = tpu.memref_squeeze %dma_start3A_64 : memref<1x32x1x128xf32, #tpu.memory_space<hbm>> -> memref<32x128xf32, #tpu.memory_space<hbm>>
    %dma_start3A_66 = arith.constant 0 : i32
    %dma_start3A_67 = arith.constant 0 : i32
    %dma_start3A_68 = tpu.memref_slice %arg4[%select_n3A, %dma_start3A_66, %select_n3A_58, %dma_start3A_67] : memref<1250x32x8x128xf32, #tpu.memory_space<hbm>> -> memref<1x32x1x128xf32, #tpu.memory_space<hbm>>
    %dma_start3A_69 = tpu.memref_squeeze %dma_start3A_68 : memref<1x32x1x128xf32, #tpu.memory_space<hbm>> -> memref<32x128xf32, #tpu.memory_space<hbm>>
    %dma_start3A_70 = arith.constant 0 : i32
    %dma_start3A_71 = arith.constant 0 : i32
    %dma_start3A_72 = tpu.memref_slice %arg6[%dma_start3A_70, %dma_start3A_71] : memref<128x128xf32, #tpu.memory_space<vmem>> -> memref<32x128xf32, #tpu.memory_space<vmem>>
    tpu.enqueue_dma source(%dma_start3A_72 : memref<32x128xf32, #tpu.memory_space<vmem>>) target(%dma_start3A_69 : memref<32x128xf32, #tpu.memory_space<hbm>>) target_semaphore(%arg11 : memref<!tpu.dma_semaphore, #tpu.memory_space<semaphore_mem>>)
    %add3A_73 = arith.constant 0 : i32
    %add3A_74 = arith.addi %add3A_5, %add3A_73 : i32
    %add3A_75 = arith.constant 1 : i32
    %add3A_76 = arith.addi %add3A_74, %add3A_75 : i32
    %jit3A_77 = arith.constant 8 : i32
    %div3A_78 = arith.divsi %add3A_76, %jit3A_77 : i32
    %sign3A_79 = arith.constant 0 : i32
    %sign3A_80 = arith.cmpi sgt, %add3A_76, %sign3A_79 : i32
    %sign3A_81 = arith.extui %sign3A_80 : i1 to i32
    %sign3A_82 = arith.constant 0 : i32
    %sign3A_83 = arith.cmpi slt, %add3A_76, %sign3A_82 : i32
    %sign3A_84 = arith.extui %sign3A_83 : i1 to i32
    %sign3A_85 = arith.subi %sign3A_81, %sign3A_84 : i32
    %sign3A_86 = arith.constant 0 : i32
    %sign3A_87 = arith.cmpi sgt, %jit3A_77, %sign3A_86 : i32
    %sign3A_88 = arith.extui %sign3A_87 : i1 to i32
    %sign3A_89 = arith.constant 0 : i32
    %sign3A_90 = arith.cmpi slt, %jit3A_77, %sign3A_89 : i32
    %sign3A_91 = arith.extui %sign3A_90 : i1 to i32
    %sign3A_92 = arith.subi %sign3A_88, %sign3A_91 : i32
    %ne3A_93 = arith.cmpi ne, %sign3A_85, %sign3A_92 : i32
    %rem3A_94 = arith.remsi %add3A_76, %jit3A_77 : i32
    %ne3A_95 = arith.constant 0 : i32
    %ne3A_96 = arith.cmpi ne, %rem3A_94, %ne3A_95 : i32
    %and3A_97 = arith.andi %ne3A_93, %ne3A_96 : i1
    %sub3A_98 = arith.constant 1 : i32
    %sub3A_99 = arith.subi %div3A_78, %sub3A_98 : i32
    %select_n3A_100 = arith.select %and3A_97, %sub3A_99, %div3A_78 : i32
    %jit3A_101 = arith.constant 8 : i32
    %eq3A_102 = arith.constant 0 : i32
    %eq3A_103 = arith.cmpi eq, %jit3A_101, %eq3A_102 : i32
    %jit3A_104 = arith.constant 1 : i32
    %select_n3A_105 = arith.select %eq3A_103, %jit3A_104, %jit3A_101 : i32
    %rem3A_106 = arith.remsi %add3A_76, %select_n3A_105 : i32
    %ne3A_107 = arith.constant 0 : i32
    %ne3A_108 = arith.cmpi ne, %rem3A_106, %ne3A_107 : i32
    %lt3A_109 = arith.constant 0 : i32
    %lt3A_110 = arith.cmpi slt, %rem3A_106, %lt3A_109 : i32
    %lt3A_111 = arith.constant 0 : i32
    %lt3A_112 = arith.cmpi slt, %select_n3A_105, %lt3A_111 : i32
    %ne3A_113 = arith.xori %lt3A_110, %lt3A_112 : i1
    %and3A_114 = arith.andi %ne3A_113, %ne3A_108 : i1
    %add3A_115 = arith.addi %rem3A_106, %select_n3A_105 : i32
    %select_n3A_116 = arith.select %and3A_114, %add3A_115, %rem3A_106 : i32
    %dma_start3A_117 = arith.constant 32 : i32
    %dma_start3A_118 = arith.constant 0 : i32
    %dma_start3A_119 = tpu.memref_slice %arg6[%dma_start3A_117, %dma_start3A_118] : memref<128x128xf32, #tpu.memory_space<vmem>> -> memref<32x128xf32, #tpu.memory_space<vmem>>
    %dma_start3A_120 = arith.constant 0 : i32
    %dma_start3A_121 = arith.constant 0 : i32
    %dma_start3A_122 = tpu.memref_slice %arg4[%select_n3A_100, %dma_start3A_120, %select_n3A_116, %dma_start3A_121] : memref<1250x32x8x128xf32, #tpu.memory_space<hbm>> -> memref<1x32x1x128xf32, #tpu.memory_space<hbm>>
    %dma_start3A_123 = tpu.memref_squeeze %dma_start3A_122 : memref<1x32x1x128xf32, #tpu.memory_space<hbm>> -> memref<32x128xf32, #tpu.memory_space<hbm>>
    %dma_start3A_124 = arith.constant 0 : i32
    %dma_start3A_125 = arith.constant 0 : i32
    %dma_start3A_126 = tpu.memref_slice %arg4[%select_n3A_100, %dma_start3A_124, %select_n3A_116, %dma_start3A_125] : memref<1250x32x8x128xf32, #tpu.memory_space<hbm>> -> memref<1x32x1x128xf32, #tpu.memory_space<hbm>>
    %dma_start3A_127 = tpu.memref_squeeze %dma_start3A_126 : memref<1x32x1x128xf32, #tpu.memory_space<hbm>> -> memref<32x128xf32, #tpu.memory_space<hbm>>
    %dma_start3A_128 = arith.constant 32 : i32
    %dma_start3A_129 = arith.constant 0 : i32
    %dma_start3A_130 = tpu.memref_slice %arg6[%dma_start3A_128, %dma_start3A_129] : memref<128x128xf32, #tpu.memory_space<vmem>> -> memref<32x128xf32, #tpu.memory_space<vmem>>
    tpu.enqueue_dma source(%dma_start3A_130 : memref<32x128xf32, #tpu.memory_space<vmem>>) target(%dma_start3A_127 : memref<32x128xf32, #tpu.memory_space<hbm>>) target_semaphore(%arg11 : memref<!tpu.dma_semaphore, #tpu.memory_space<semaphore_mem>>)
    %add3A_131 = arith.constant 0 : i32
    %add3A_132 = arith.addi %add3A_5, %add3A_131 : i32
    %add3A_133 = arith.constant 2 : i32
    %add3A_134 = arith.addi %add3A_132, %add3A_133 : i32
    %jit3A_135 = arith.constant 8 : i32
    %div3A_136 = arith.divsi %add3A_134, %jit3A_135 : i32
    %sign3A_137 = arith.constant 0 : i32
    %sign3A_138 = arith.cmpi sgt, %add3A_134, %sign3A_137 : i32
    %sign3A_139 = arith.extui %sign3A_138 : i1 to i32
    %sign3A_140 = arith.constant 0 : i32
    %sign3A_141 = arith.cmpi slt, %add3A_134, %sign3A_140 : i32
    %sign3A_142 = arith.extui %sign3A_141 : i1 to i32
    %sign3A_143 = arith.subi %sign3A_139, %sign3A_142 : i32
    %sign3A_144 = arith.constant 0 : i32
    %sign3A_145 = arith.cmpi sgt, %jit3A_135, %sign3A_144 : i32
    %sign3A_146 = arith.extui %sign3A_145 : i1 to i32
    %sign3A_147 = arith.constant 0 : i32
    %sign3A_148 = arith.cmpi slt, %jit3A_135, %sign3A_147 : i32
    %sign3A_149 = arith.extui %sign3A_148 : i1 to i32
    %sign3A_150 = arith.subi %sign3A_146, %sign3A_149 : i32
    %ne3A_151 = arith.cmpi ne, %sign3A_143, %sign3A_150 : i32
    %rem3A_152 = arith.remsi %add3A_134, %jit3A_135 : i32
    %ne3A_153 = arith.constant 0 : i32
    %ne3A_154 = arith.cmpi ne, %rem3A_152, %ne3A_153 : i32
    %and3A_155 = arith.andi %ne3A_151, %ne3A_154 : i1
    %sub3A_156 = arith.constant 1 : i32
    %sub3A_157 = arith.subi %div3A_136, %sub3A_156 : i32
    %select_n3A_158 = arith.select %and3A_155, %sub3A_157, %div3A_136 : i32
    %jit3A_159 = arith.constant 8 : i32
    %eq3A_160 = arith.constant 0 : i32
    %eq3A_161 = arith.cmpi eq, %jit3A_159, %eq3A_160 : i32
    %jit3A_162 = arith.constant 1 : i32
    %select_n3A_163 = arith.select %eq3A_161, %jit3A_162, %jit3A_159 : i32
    %rem3A_164 = arith.remsi %add3A_134, %select_n3A_163 : i32
    %ne3A_165 = arith.constant 0 : i32
    %ne3A_166 = arith.cmpi ne, %rem3A_164, %ne3A_165 : i32
    %lt3A_167 = arith.constant 0 : i32
    %lt3A_168 = arith.cmpi slt, %rem3A_164, %lt3A_167 : i32
    %lt3A_169 = arith.constant 0 : i32
    %lt3A_170 = arith.cmpi slt, %select_n3A_163, %lt3A_169 : i32
    %ne3A_171 = arith.xori %lt3A_168, %lt3A_170 : i1
    %and3A_172 = arith.andi %ne3A_171, %ne3A_166 : i1
    %add3A_173 = arith.addi %rem3A_164, %select_n3A_163 : i32
    %select_n3A_174 = arith.select %and3A_172, %add3A_173, %rem3A_164 : i32
    %dma_start3A_175 = arith.constant 64 : i32
    %dma_start3A_176 = arith.constant 0 : i32
    %dma_start3A_177 = tpu.memref_slice %arg6[%dma_start3A_175, %dma_start3A_176] : memref<128x128xf32, #tpu.memory_space<vmem>> -> memref<32x128xf32, #tpu.memory_space<vmem>>
    %dma_start3A_178 = arith.constant 0 : i32
    %dma_start3A_179 = arith.constant 0 : i32
    %dma_start3A_180 = tpu.memref_slice %arg4[%select_n3A_158, %dma_start3A_178, %select_n3A_174, %dma_start3A_179] : memref<1250x32x8x128xf32, #tpu.memory_space<hbm>> -> memref<1x32x1x128xf32, #tpu.memory_space<hbm>>
    %dma_start3A_181 = tpu.memref_squeeze %dma_start3A_180 : memref<1x32x1x128xf32, #tpu.memory_space<hbm>> -> memref<32x128xf32, #tpu.memory_space<hbm>>
    %dma_start3A_182 = arith.constant 0 : i32
    %dma_start3A_183 = arith.constant 0 : i32
    %dma_start3A_184 = tpu.memref_slice %arg4[%select_n3A_158, %dma_start3A_182, %select_n3A_174, %dma_start3A_183] : memref<1250x32x8x128xf32, #tpu.memory_space<hbm>> -> memref<1x32x1x128xf32, #tpu.memory_space<hbm>>
    %dma_start3A_185 = tpu.memref_squeeze %dma_start3A_184 : memref<1x32x1x128xf32, #tpu.memory_space<hbm>> -> memref<32x128xf32, #tpu.memory_space<hbm>>
    %dma_start3A_186 = arith.constant 64 : i32
    %dma_start3A_187 = arith.constant 0 : i32
    %dma_start3A_188 = tpu.memref_slice %arg6[%dma_start3A_186, %dma_start3A_187] : memref<128x128xf32, #tpu.memory_space<vmem>> -> memref<32x128xf32, #tpu.memory_space<vmem>>
    tpu.enqueue_dma source(%dma_start3A_188 : memref<32x128xf32, #tpu.memory_space<vmem>>) target(%dma_start3A_185 : memref<32x128xf32, #tpu.memory_space<hbm>>) target_semaphore(%arg11 : memref<!tpu.dma_semaphore, #tpu.memory_space<semaphore_mem>>)
    %add3A_189 = arith.constant 0 : i32
    %add3A_190 = arith.addi %add3A_5, %add3A_189 : i32
    %add3A_191 = arith.constant 3 : i32
    %add3A_192 = arith.addi %add3A_190, %add3A_191 : i32
    %jit3A_193 = arith.constant 8 : i32
    %div3A_194 = arith.divsi %add3A_192, %jit3A_193 : i32
    %sign3A_195 = arith.constant 0 : i32
    %sign3A_196 = arith.cmpi sgt, %add3A_192, %sign3A_195 : i32
    %sign3A_197 = arith.extui %sign3A_196 : i1 to i32
    %sign3A_198 = arith.constant 0 : i32
    %sign3A_199 = arith.cmpi slt, %add3A_192, %sign3A_198 : i32
    %sign3A_200 = arith.extui %sign3A_199 : i1 to i32
    %sign3A_201 = arith.subi %sign3A_197, %sign3A_200 : i32
    %sign3A_202 = arith.constant 0 : i32
    %sign3A_203 = arith.cmpi sgt, %jit3A_193, %sign3A_202 : i32
    %sign3A_204 = arith.extui %sign3A_203 : i1 to i32
    %sign3A_205 = arith.constant 0 : i32
    %sign3A_206 = arith.cmpi slt, %jit3A_193, %sign3A_205 : i32
    %sign3A_207 = arith.extui %sign3A_206 : i1 to i32
    %sign3A_208 = arith.subi %sign3A_204, %sign3A_207 : i32
    %ne3A_209 = arith.cmpi ne, %sign3A_201, %sign3A_208 : i32
    %rem3A_210 = arith.remsi %add3A_192, %jit3A_193 : i32
    %ne3A_211 = arith.constant 0 : i32
    %ne3A_212 = arith.cmpi ne, %rem3A_210, %ne3A_211 : i32
    %and3A_213 = arith.andi %ne3A_209, %ne3A_212 : i1
    %sub3A_214 = arith.constant 1 : i32
    %sub3A_215 = arith.subi %div3A_194, %sub3A_214 : i32
    %select_n3A_216 = arith.select %and3A_213, %sub3A_215, %div3A_194 : i32
    %jit3A_217 = arith.constant 8 : i32
    %eq3A_218 = arith.constant 0 : i32
    %eq3A_219 = arith.cmpi eq, %jit3A_217, %eq3A_218 : i32
    %jit3A_220 = arith.constant 1 : i32
    %select_n3A_221 = arith.select %eq3A_219, %jit3A_220, %jit3A_217 : i32
    %rem3A_222 = arith.remsi %add3A_192, %select_n3A_221 : i32
    %ne3A_223 = arith.constant 0 : i32
    %ne3A_224 = arith.cmpi ne, %rem3A_222, %ne3A_223 : i32
    %lt3A_225 = arith.constant 0 : i32
    %lt3A_226 = arith.cmpi slt, %rem3A_222, %lt3A_225 : i32
    %lt3A_227 = arith.constant 0 : i32
    %lt3A_228 = arith.cmpi slt, %select_n3A_221, %lt3A_227 : i32
    %ne3A_229 = arith.xori %lt3A_226, %lt3A_228 : i1
    %and3A_230 = arith.andi %ne3A_229, %ne3A_224 : i1
    %add3A_231 = arith.addi %rem3A_222, %select_n3A_221 : i32
    %select_n3A_232 = arith.select %and3A_230, %add3A_231, %rem3A_222 : i32
    %dma_start3A_233 = arith.constant 96 : i32
    %dma_start3A_234 = arith.constant 0 : i32
    %dma_start3A_235 = tpu.memref_slice %arg6[%dma_start3A_233, %dma_start3A_234] : memref<128x128xf32, #tpu.memory_space<vmem>> -> memref<32x128xf32, #tpu.memory_space<vmem>>
    %dma_start3A_236 = arith.constant 0 : i32
    %dma_start3A_237 = arith.constant 0 : i32
    %dma_start3A_238 = tpu.memref_slice %arg4[%select_n3A_216, %dma_start3A_236, %select_n3A_232, %dma_start3A_237] : memref<1250x32x8x128xf32, #tpu.memory_space<hbm>> -> memref<1x32x1x128xf32, #tpu.memory_space<hbm>>
    %dma_start3A_239 = tpu.memref_squeeze %dma_start3A_238 : memref<1x32x1x128xf32, #tpu.memory_space<hbm>> -> memref<32x128xf32, #tpu.memory_space<hbm>>
    %dma_start3A_240 = arith.constant 0 : i32
    %dma_start3A_241 = arith.constant 0 : i32
    %dma_start3A_242 = tpu.memref_slice %arg4[%select_n3A_216, %dma_start3A_240, %select_n3A_232, %dma_start3A_241] : memref<1250x32x8x128xf32, #tpu.memory_space<hbm>> -> memref<1x32x1x128xf32, #tpu.memory_space<hbm>>
    %dma_start3A_243 = tpu.memref_squeeze %dma_start3A_242 : memref<1x32x1x128xf32, #tpu.memory_space<hbm>> -> memref<32x128xf32, #tpu.memory_space<hbm>>
    %dma_start3A_244 = arith.constant 96 : i32
    %dma_start3A_245 = arith.constant 0 : i32
    %dma_start3A_246 = tpu.memref_slice %arg6[%dma_start3A_244, %dma_start3A_245] : memref<128x128xf32, #tpu.memory_space<vmem>> -> memref<32x128xf32, #tpu.memory_space<vmem>>
    tpu.enqueue_dma source(%dma_start3A_246 : memref<32x128xf32, #tpu.memory_space<vmem>>) target(%dma_start3A_243 : memref<32x128xf32, #tpu.memory_space<hbm>>) target_semaphore(%arg11 : memref<!tpu.dma_semaphore, #tpu.memory_space<semaphore_mem>>)
    %multiple_of3A_247 = arith.constant 128 : i32
    %multiple_of3A_248 = tpu.assume_multiple %multiple_of3A_247, 128 : i32
    %dma_start3A_249 = tpu.memref_slice %arg5[%multiple_of3A_248] : memref<10016xi32, #tpu.memory_space<vmem>> -> memref<128xi32, #tpu.memory_space<vmem>>
    %dma_start3A_250 = arith.constant 0 : i32
    %dma_start3A_251 = arith.constant 0 : i32
    %dma_start3A_252 = tpu.memref_slice %arg14[%dma_start3A_250, %dma_start3A_251] : memref<10000x128xf32, #tpu.memory_space<vmem_shared>> -> memref<10000x128xf32, #tpu.memory_space<vmem_shared>>
    tpu.enqueue_indirect_dma source(%dma_start3A_252 : memref<10000x128xf32, #tpu.memory_space<vmem_shared>>) target(%arg7 : memref<128x128xf32, #tpu.memory_space<vmem>>) offsets(%dma_start3A_249 : memref<128xi32, #tpu.memory_space<vmem>>) semaphore(%arg10 : memref<!tpu.dma_semaphore, #tpu.memory_space<semaphore_mem>>)
    %scan3A = arith.constant 0 : i32
    %scan3A_253 = arith.constant 0 : i32
    %scan3A_254 = arith.constant 38 : i32
    %scan3A_255 = arith.addi %scan3A_253, %scan3A_254 : i32
    %scan3A_256 = arith.constant 1 : i32
    scf.for %scan3A_513 = %scan3A_253 to %scan3A_255 step %scan3A_256  : i32 {
      %mul3A_514 = arith.constant 2 : i32
      %mul3A_515 = arith.muli %scan3A_513, %mul3A_514 : i32
      %add3A_516 = arith.constant 1 : i32
      %add3A_517 = arith.addi %add3A_516, %mul3A_515 : i32
      %add3A_518 = arith.constant 0 : i32
      %add3A_519 = arith.addi %add3A_517, %add3A_518 : i32
      %dma_wait3A_520 = arith.constant 0 : i32
      %dma_wait3A_521 = arith.constant 0 : i32
      %dma_wait3A_522 = tpu.memref_slice %arg2[%dma_wait3A_520, %dma_wait3A_521] : memref<10000x128xf32, #tpu.memory_space<hbm>> -> memref<128x128xf32, #tpu.memory_space<hbm>>
      %dma_wait3A_523 = arith.constant 0 : i32
      %dma_wait3A_524 = arith.constant 0 : i32
      %dma_wait3A_525 = tpu.memref_slice %arg2[%dma_wait3A_523, %dma_wait3A_524] : memref<10000x128xf32, #tpu.memory_space<hbm>> -> memref<128x128xf32, #tpu.memory_space<hbm>>
      tpu.wait_dma2 semaphore(%arg10 : memref<!tpu.dma_semaphore, #tpu.memory_space<semaphore_mem>>) src(%dma_wait3A_525 : memref<128x128xf32, #tpu.memory_space<hbm>>) dst(%arg7 : memref<128x128xf32, #tpu.memory_space<vmem>>)
      %mul3A_526 = arith.constant 4 : i32
      %mul3A_527 = arith.muli %add3A_519, %mul3A_526 : i32
      %add3A_528 = arith.addi %add3A_5, %mul3A_527 : i32
      %add3A_529 = arith.constant 0 : i32
      %add3A_530 = arith.addi %add3A_528, %add3A_529 : i32
      %jit3A_531 = arith.constant 8 : i32
      %div3A_532 = arith.divsi %add3A_530, %jit3A_531 : i32
      %sign3A_533 = arith.constant 0 : i32
      %sign3A_534 = arith.cmpi sgt, %add3A_530, %sign3A_533 : i32
      %sign3A_535 = arith.extui %sign3A_534 : i1 to i32
      %sign3A_536 = arith.constant 0 : i32
      %sign3A_537 = arith.cmpi slt, %add3A_530, %sign3A_536 : i32
      %sign3A_538 = arith.extui %sign3A_537 : i1 to i32
      %sign3A_539 = arith.subi %sign3A_535, %sign3A_538 : i32
      %sign3A_540 = arith.constant 0 : i32
      %sign3A_541 = arith.cmpi sgt, %jit3A_531, %sign3A_540 : i32
      %sign3A_542 = arith.extui %sign3A_541 : i1 to i32
      %sign3A_543 = arith.constant 0 : i32
      %sign3A_544 = arith.cmpi slt, %jit3A_531, %sign3A_543 : i32
      %sign3A_545 = arith.extui %sign3A_544 : i1 to i32
      %sign3A_546 = arith.subi %sign3A_542, %sign3A_545 : i32
      %ne3A_547 = arith.cmpi ne, %sign3A_539, %sign3A_546 : i32
      %rem3A_548 = arith.remsi %add3A_530, %jit3A_531 : i32
      %ne3A_549 = arith.constant 0 : i32
      %ne3A_550 = arith.cmpi ne, %rem3A_548, %ne3A_549 : i32
      %and3A_551 = arith.andi %ne3A_547, %ne3A_550 : i1
      %sub3A_552 = arith.constant 1 : i32
      %sub3A_553 = arith.subi %div3A_532, %sub3A_552 : i32
      %select_n3A_554 = arith.select %and3A_551, %sub3A_553, %div3A_532 : i32
      %jit3A_555 = arith.constant 8 : i32
      %eq3A_556 = arith.constant 0 : i32
      %eq3A_557 = arith.cmpi eq, %jit3A_555, %eq3A_556 : i32
      %jit3A_558 = arith.constant 1 : i32
      %select_n3A_559 = arith.select %eq3A_557, %jit3A_558, %jit3A_555 : i32
      %rem3A_560 = arith.remsi %add3A_530, %select_n3A_559 : i32
      %ne3A_561 = arith.constant 0 : i32
      %ne3A_562 = arith.cmpi ne, %rem3A_560, %ne3A_561 : i32
      %lt3A_563 = arith.constant 0 : i32
      %lt3A_564 = arith.cmpi slt, %rem3A_560, %lt3A_563 : i32
      %lt3A_565 = arith.constant 0 : i32
      %lt3A_566 = arith.cmpi slt, %select_n3A_559, %lt3A_565 : i32
      %ne3A_567 = arith.xori %lt3A_564, %lt3A_566 : i1
      %and3A_568 = arith.andi %ne3A_567, %ne3A_562 : i1
      %add3A_569 = arith.addi %rem3A_560, %select_n3A_559 : i32
      %select_n3A_570 = arith.select %and3A_568, %add3A_569, %rem3A_560 : i32
      %dma_start3A_571 = arith.constant 0 : i32
      %dma_start3A_572 = arith.constant 0 : i32
      %dma_start3A_573 = tpu.memref_slice %arg7[%dma_start3A_571, %dma_start3A_572] : memref<128x128xf32, #tpu.memory_space<vmem>> -> memref<32x128xf32, #tpu.memory_space<vmem>>
      %dma_start3A_574 = arith.constant 0 : i32
      %dma_start3A_575 = arith.constant 0 : i32
      %dma_start3A_576 = tpu.memref_slice %arg4[%select_n3A_554, %dma_start3A_574, %select_n3A_570, %dma_start3A_575] : memref<1250x32x8x128xf32, #tpu.memory_space<hbm>> -> memref<1x32x1x128xf32, #tpu.memory_space<hbm>>
      %dma_start3A_577 = tpu.memref_squeeze %dma_start3A_576 : memref<1x32x1x128xf32, #tpu.memory_space<hbm>> -> memref<32x128xf32, #tpu.memory_space<hbm>>
      %dma_start3A_578 = arith.constant 0 : i32
      %dma_start3A_579 = arith.constant 0 : i32
      %dma_start3A_580 = tpu.memref_slice %arg4[%select_n3A_554, %dma_start3A_578, %select_n3A_570, %dma_start3A_579] : memref<1250x32x8x128xf32, #tpu.memory_space<hbm>> -> memref<1x32x1x128xf32, #tpu.memory_space<hbm>>
      %dma_start3A_581 = tpu.memref_squeeze %dma_start3A_580 : memref<1x32x1x128xf32, #tpu.memory_space<hbm>> -> memref<32x128xf32, #tpu.memory_space<hbm>>
      %dma_start3A_582 = arith.constant 0 : i32
      %dma_start3A_583 = arith.constant 0 : i32
      %dma_start3A_584 = tpu.memref_slice %arg7[%dma_start3A_582, %dma_start3A_583] : memref<128x128xf32, #tpu.memory_space<vmem>> -> memref<32x128xf32, #tpu.memory_space<vmem>>
      tpu.enqueue_dma source(%dma_start3A_584 : memref<32x128xf32, #tpu.memory_space<vmem>>) target(%dma_start3A_581 : memref<32x128xf32, #tpu.memory_space<hbm>>) target_semaphore(%arg12 : memref<!tpu.dma_semaphore, #tpu.memory_space<semaphore_mem>>)
      %mul3A_585 = arith.constant 4 : i32
      %mul3A_586 = arith.muli %add3A_519, %mul3A_585 : i32
      %add3A_587 = arith.addi %add3A_5, %mul3A_586 : i32
      %add3A_588 = arith.constant 1 : i32
      %add3A_589 = arith.addi %add3A_587, %add3A_588 : i32
      %jit3A_590 = arith.constant 8 : i32
      %div3A_591 = arith.divsi %add3A_589, %jit3A_590 : i32
      %sign3A_592 = arith.constant 0 : i32
      %sign3A_593 = arith.cmpi sgt, %add3A_589, %sign3A_592 : i32
      %sign3A_594 = arith.extui %sign3A_593 : i1 to i32
      %sign3A_595 = arith.constant 0 : i32
      %sign3A_596 = arith.cmpi slt, %add3A_589, %sign3A_595 : i32
      %sign3A_597 = arith.extui %sign3A_596 : i1 to i32
      %sign3A_598 = arith.subi %sign3A_594, %sign3A_597 : i32
      %sign3A_599 = arith.constant 0 : i32
      %sign3A_600 = arith.cmpi sgt, %jit3A_590, %sign3A_599 : i32
      %sign3A_601 = arith.extui %sign3A_600 : i1 to i32
      %sign3A_602 = arith.constant 0 : i32
      %sign3A_603 = arith.cmpi slt, %jit3A_590, %sign3A_602 : i32
      %sign3A_604 = arith.extui %sign3A_603 : i1 to i32
      %sign3A_605 = arith.subi %sign3A_601, %sign3A_604 : i32
      %ne3A_606 = arith.cmpi ne, %sign3A_598, %sign3A_605 : i32
      %rem3A_607 = arith.remsi %add3A_589, %jit3A_590 : i32
      %ne3A_608 = arith.constant 0 : i32
      %ne3A_609 = arith.cmpi ne, %rem3A_607, %ne3A_608 : i32
      %and3A_610 = arith.andi %ne3A_606, %ne3A_609 : i1
      %sub3A_611 = arith.constant 1 : i32
      %sub3A_612 = arith.subi %div3A_591, %sub3A_611 : i32
      %select_n3A_613 = arith.select %and3A_610, %sub3A_612, %div3A_591 : i32
      %jit3A_614 = arith.constant 8 : i32
      %eq3A_615 = arith.constant 0 : i32
      %eq3A_616 = arith.cmpi eq, %jit3A_614, %eq3A_615 : i32
      %jit3A_617 = arith.constant 1 : i32
      %select_n3A_618 = arith.select %eq3A_616, %jit3A_617, %jit3A_614 : i32
      %rem3A_619 = arith.remsi %add3A_589, %select_n3A_618 : i32
      %ne3A_620 = arith.constant 0 : i32
      %ne3A_621 = arith.cmpi ne, %rem3A_619, %ne3A_620 : i32
      %lt3A_622 = arith.constant 0 : i32
      %lt3A_623 = arith.cmpi slt, %rem3A_619, %lt3A_622 : i32
      %lt3A_624 = arith.constant 0 : i32
      %lt3A_625 = arith.cmpi slt, %select_n3A_618, %lt3A_624 : i32
      %ne3A_626 = arith.xori %lt3A_623, %lt3A_625 : i1
      %and3A_627 = arith.andi %ne3A_626, %ne3A_621 : i1
      %add3A_628 = arith.addi %rem3A_619, %select_n3A_618 : i32
      %select_n3A_629 = arith.select %and3A_627, %add3A_628, %rem3A_619 : i32
      %dma_start3A_630 = arith.constant 32 : i32
      %dma_start3A_631 = arith.constant 0 : i32
      %dma_start3A_632 = tpu.memref_slice %arg7[%dma_start3A_630, %dma_start3A_631] : memref<128x128xf32, #tpu.memory_space<vmem>> -> memref<32x128xf32, #tpu.memory_space<vmem>>
      %dma_start3A_633 = arith.constant 0 : i32
      %dma_start3A_634 = arith.constant 0 : i32
      %dma_start3A_635 = tpu.memref_slice %arg4[%select_n3A_613, %dma_start3A_633, %select_n3A_629, %dma_start3A_634] : memref<1250x32x8x128xf32, #tpu.memory_space<hbm>> -> memref<1x32x1x128xf32, #tpu.memory_space<hbm>>
      %dma_start3A_636 = tpu.memref_squeeze %dma_start3A_635 : memref<1x32x1x128xf32, #tpu.memory_space<hbm>> -> memref<32x128xf32, #tpu.memory_space<hbm>>
      %dma_start3A_637 = arith.constant 0 : i32
      %dma_start3A_638 = arith.constant 0 : i32
      %dma_start3A_639 = tpu.memref_slice %arg4[%select_n3A_613, %dma_start3A_637, %select_n3A_629, %dma_start3A_638] : memref<1250x32x8x128xf32, #tpu.memory_space<hbm>> -> memref<1x32x1x128xf32, #tpu.memory_space<hbm>>
      %dma_start3A_640 = tpu.memref_squeeze %dma_start3A_639 : memref<1x32x1x128xf32, #tpu.memory_space<hbm>> -> memref<32x128xf32, #tpu.memory_space<hbm>>
      %dma_start3A_641 = arith.constant 32 : i32
      %dma_start3A_642 = arith.constant 0 : i32
      %dma_start3A_643 = tpu.memref_slice %arg7[%dma_start3A_641, %dma_start3A_642] : memref<128x128xf32, #tpu.memory_space<vmem>> -> memref<32x128xf32, #tpu.memory_space<vmem>>
      tpu.enqueue_dma source(%dma_start3A_643 : memref<32x128xf32, #tpu.memory_space<vmem>>) target(%dma_start3A_640 : memref<32x128xf32, #tpu.memory_space<hbm>>) target_semaphore(%arg12 : memref<!tpu.dma_semaphore, #tpu.memory_space<semaphore_mem>>)
      %mul3A_644 = arith.constant 4 : i32
      %mul3A_645 = arith.muli %add3A_519, %mul3A_644 : i32
      %add3A_646 = arith.addi %add3A_5, %mul3A_645 : i32
      %add3A_647 = arith.constant 2 : i32
      %add3A_648 = arith.addi %add3A_646, %add3A_647 : i32
      %jit3A_649 = arith.constant 8 : i32
      %div3A_650 = arith.divsi %add3A_648, %jit3A_649 : i32
      %sign3A_651 = arith.constant 0 : i32
      %sign3A_652 = arith.cmpi sgt, %add3A_648, %sign3A_651 : i32
      %sign3A_653 = arith.extui %sign3A_652 : i1 to i32
      %sign3A_654 = arith.constant 0 : i32
      %sign3A_655 = arith.cmpi slt, %add3A_648, %sign3A_654 : i32
      %sign3A_656 = arith.extui %sign3A_655 : i1 to i32
      %sign3A_657 = arith.subi %sign3A_653, %sign3A_656 : i32
      %sign3A_658 = arith.constant 0 : i32
      %sign3A_659 = arith.cmpi sgt, %jit3A_649, %sign3A_658 : i32
      %sign3A_660 = arith.extui %sign3A_659 : i1 to i32
      %sign3A_661 = arith.constant 0 : i32
      %sign3A_662 = arith.cmpi slt, %jit3A_649, %sign3A_661 : i32
      %sign3A_663 = arith.extui %sign3A_662 : i1 to i32
      %sign3A_664 = arith.subi %sign3A_660, %sign3A_663 : i32
      %ne3A_665 = arith.cmpi ne, %sign3A_657, %sign3A_664 : i32
      %rem3A_666 = arith.remsi %add3A_648, %jit3A_649 : i32
      %ne3A_667 = arith.constant 0 : i32
      %ne3A_668 = arith.cmpi ne, %rem3A_666, %ne3A_667 : i32
      %and3A_669 = arith.andi %ne3A_665, %ne3A_668 : i1
      %sub3A_670 = arith.constant 1 : i32
      %sub3A_671 = arith.subi %div3A_650, %sub3A_670 : i32
      %select_n3A_672 = arith.select %and3A_669, %sub3A_671, %div3A_650 : i32
      %jit3A_673 = arith.constant 8 : i32
      %eq3A_674 = arith.constant 0 : i32
      %eq3A_675 = arith.cmpi eq, %jit3A_673, %eq3A_674 : i32
      %jit3A_676 = arith.constant 1 : i32
      %select_n3A_677 = arith.select %eq3A_675, %jit3A_676, %jit3A_673 : i32
      %rem3A_678 = arith.remsi %add3A_648, %select_n3A_677 : i32
      %ne3A_679 = arith.constant 0 : i32
      %ne3A_680 = arith.cmpi ne, %rem3A_678, %ne3A_679 : i32
      %lt3A_681 = arith.constant 0 : i32
      %lt3A_682 = arith.cmpi slt, %rem3A_678, %lt3A_681 : i32
      %lt3A_683 = arith.constant 0 : i32
      %lt3A_684 = arith.cmpi slt, %select_n3A_677, %lt3A_683 : i32
      %ne3A_685 = arith.xori %lt3A_682, %lt3A_684 : i1
      %and3A_686 = arith.andi %ne3A_685, %ne3A_680 : i1
      %add3A_687 = arith.addi %rem3A_678, %select_n3A_677 : i32
      %select_n3A_688 = arith.select %and3A_686, %add3A_687, %rem3A_678 : i32
      %dma_start3A_689 = arith.constant 64 : i32
      %dma_start3A_690 = arith.constant 0 : i32
      %dma_start3A_691 = tpu.memref_slice %arg7[%dma_start3A_689, %dma_start3A_690] : memref<128x128xf32, #tpu.memory_space<vmem>> -> memref<32x128xf32, #tpu.memory_space<vmem>>
      %dma_start3A_692 = arith.constant 0 : i32
      %dma_start3A_693 = arith.constant 0 : i32
      %dma_start3A_694 = tpu.memref_slice %arg4[%select_n3A_672, %dma_start3A_692, %select_n3A_688, %dma_start3A_693] : memref<1250x32x8x128xf32, #tpu.memory_space<hbm>> -> memref<1x32x1x128xf32, #tpu.memory_space<hbm>>
      %dma_start3A_695 = tpu.memref_squeeze %dma_start3A_694 : memref<1x32x1x128xf32, #tpu.memory_space<hbm>> -> memref<32x128xf32, #tpu.memory_space<hbm>>
      %dma_start3A_696 = arith.constant 0 : i32
      %dma_start3A_697 = arith.constant 0 : i32
      %dma_start3A_698 = tpu.memref_slice %arg4[%select_n3A_672, %dma_start3A_696, %select_n3A_688, %dma_start3A_697] : memref<1250x32x8x128xf32, #tpu.memory_space<hbm>> -> memref<1x32x1x128xf32, #tpu.memory_space<hbm>>
      %dma_start3A_699 = tpu.memref_squeeze %dma_start3A_698 : memref<1x32x1x128xf32, #tpu.memory_space<hbm>> -> memref<32x128xf32, #tpu.memory_space<hbm>>
      %dma_start3A_700 = arith.constant 64 : i32
      %dma_start3A_701 = arith.constant 0 : i32
      %dma_start3A_702 = tpu.memref_slice %arg7[%dma_start3A_700, %dma_start3A_701] : memref<128x128xf32, #tpu.memory_space<vmem>> -> memref<32x128xf32, #tpu.memory_space<vmem>>
      tpu.enqueue_dma source(%dma_start3A_702 : memref<32x128xf32, #tpu.memory_space<vmem>>) target(%dma_start3A_699 : memref<32x128xf32, #tpu.memory_space<hbm>>) target_semaphore(%arg12 : memref<!tpu.dma_semaphore, #tpu.memory_space<semaphore_mem>>)
      %mul3A_703 = arith.constant 4 : i32
      %mul3A_704 = arith.muli %add3A_519, %mul3A_703 : i32
      %add3A_705 = arith.addi %add3A_5, %mul3A_704 : i32
      %add3A_706 = arith.constant 3 : i32
      %add3A_707 = arith.addi %add3A_705, %add3A_706 : i32
      %jit3A_708 = arith.constant 8 : i32
      %div3A_709 = arith.divsi %add3A_707, %jit3A_708 : i32
      %sign3A_710 = arith.constant 0 : i32
      %sign3A_711 = arith.cmpi sgt, %add3A_707, %sign3A_710 : i32
      %sign3A_712 = arith.extui %sign3A_711 : i1 to i32
      %sign3A_713 = arith.constant 0 : i32
      %sign3A_714 = arith.cmpi slt, %add3A_707, %sign3A_713 : i32
      %sign3A_715 = arith.extui %sign3A_714 : i1 to i32
      %sign3A_716 = arith.subi %sign3A_712, %sign3A_715 : i32
      %sign3A_717 = arith.constant 0 : i32
      %sign3A_718 = arith.cmpi sgt, %jit3A_708, %sign3A_717 : i32
      %sign3A_719 = arith.extui %sign3A_718 : i1 to i32
      %sign3A_720 = arith.constant 0 : i32
      %sign3A_721 = arith.cmpi slt, %jit3A_708, %sign3A_720 : i32
      %sign3A_722 = arith.extui %sign3A_721 : i1 to i32
      %sign3A_723 = arith.subi %sign3A_719, %sign3A_722 : i32
      %ne3A_724 = arith.cmpi ne, %sign3A_716, %sign3A_723 : i32
      %rem3A_725 = arith.remsi %add3A_707, %jit3A_708 : i32
      %ne3A_726 = arith.constant 0 : i32
      %ne3A_727 = arith.cmpi ne, %rem3A_725, %ne3A_726 : i32
      %and3A_728 = arith.andi %ne3A_724, %ne3A_727 : i1
      %sub3A_729 = arith.constant 1 : i32
      %sub3A_730 = arith.subi %div3A_709, %sub3A_729 : i32
      %select_n3A_731 = arith.select %and3A_728, %sub3A_730, %div3A_709 : i32
      %jit3A_732 = arith.constant 8 : i32
      %eq3A_733 = arith.constant 0 : i32
      %eq3A_734 = arith.cmpi eq, %jit3A_732, %eq3A_733 : i32
      %jit3A_735 = arith.constant 1 : i32
      %select_n3A_736 = arith.select %eq3A_734, %jit3A_735, %jit3A_732 : i32
      %rem3A_737 = arith.remsi %add3A_707, %select_n3A_736 : i32
      %ne3A_738 = arith.constant 0 : i32
      %ne3A_739 = arith.cmpi ne, %rem3A_737, %ne3A_738 : i32
      %lt3A_740 = arith.constant 0 : i32
      %lt3A_741 = arith.cmpi slt, %rem3A_737, %lt3A_740 : i32
      %lt3A_742 = arith.constant 0 : i32
      %lt3A_743 = arith.cmpi slt, %select_n3A_736, %lt3A_742 : i32
      %ne3A_744 = arith.xori %lt3A_741, %lt3A_743 : i1
      %and3A_745 = arith.andi %ne3A_744, %ne3A_739 : i1
      %add3A_746 = arith.addi %rem3A_737, %select_n3A_736 : i32
      %select_n3A_747 = arith.select %and3A_745, %add3A_746, %rem3A_737 : i32
      %dma_start3A_748 = arith.constant 96 : i32
      %dma_start3A_749 = arith.constant 0 : i32
      %dma_start3A_750 = tpu.memref_slice %arg7[%dma_start3A_748, %dma_start3A_749] : memref<128x128xf32, #tpu.memory_space<vmem>> -> memref<32x128xf32, #tpu.memory_space<vmem>>
      %dma_start3A_751 = arith.constant 0 : i32
      %dma_start3A_752 = arith.constant 0 : i32
      %dma_start3A_753 = tpu.memref_slice %arg4[%select_n3A_731, %dma_start3A_751, %select_n3A_747, %dma_start3A_752] : memref<1250x32x8x128xf32, #tpu.memory_space<hbm>> -> memref<1x32x1x128xf32, #tpu.memory_space<hbm>>
      %dma_start3A_754 = tpu.memref_squeeze %dma_start3A_753 : memref<1x32x1x128xf32, #tpu.memory_space<hbm>> -> memref<32x128xf32, #tpu.memory_space<hbm>>
      %dma_start3A_755 = arith.constant 0 : i32
      %dma_start3A_756 = arith.constant 0 : i32
      %dma_start3A_757 = tpu.memref_slice %arg4[%select_n3A_731, %dma_start3A_755, %select_n3A_747, %dma_start3A_756] : memref<1250x32x8x128xf32, #tpu.memory_space<hbm>> -> memref<1x32x1x128xf32, #tpu.memory_space<hbm>>
      %dma_start3A_758 = tpu.memref_squeeze %dma_start3A_757 : memref<1x32x1x128xf32, #tpu.memory_space<hbm>> -> memref<32x128xf32, #tpu.memory_space<hbm>>
      %dma_start3A_759 = arith.constant 96 : i32
      %dma_start3A_760 = arith.constant 0 : i32
      %dma_start3A_761 = tpu.memref_slice %arg7[%dma_start3A_759, %dma_start3A_760] : memref<128x128xf32, #tpu.memory_space<vmem>> -> memref<32x128xf32, #tpu.memory_space<vmem>>
      tpu.enqueue_dma source(%dma_start3A_761 : memref<32x128xf32, #tpu.memory_space<vmem>>) target(%dma_start3A_758 : memref<32x128xf32, #tpu.memory_space<hbm>>) target_semaphore(%arg12 : memref<!tpu.dma_semaphore, #tpu.memory_space<semaphore_mem>>)
      %dma_wait3A_762 = arith.constant 0 : i32
      %dma_wait3A_763 = arith.constant 0 : i32
      %dma_wait3A_764 = tpu.memref_slice %arg2[%dma_wait3A_762, %dma_wait3A_763] : memref<10000x128xf32, #tpu.memory_space<hbm>> -> memref<128x128xf32, #tpu.memory_space<hbm>>
      %dma_wait3A_765 = arith.constant 0 : i32
      %dma_wait3A_766 = arith.constant 0 : i32
      %dma_wait3A_767 = tpu.memref_slice %arg2[%dma_wait3A_765, %dma_wait3A_766] : memref<10000x128xf32, #tpu.memory_space<hbm>> -> memref<128x128xf32, #tpu.memory_space<hbm>>
      tpu.wait_dma2 semaphore(%arg11 : memref<!tpu.dma_semaphore, #tpu.memory_space<semaphore_mem>>) src(%dma_wait3A_767 : memref<128x128xf32, #tpu.memory_space<hbm>>) dst(%arg6 : memref<128x128xf32, #tpu.memory_space<vmem>>)
      %add3A_768 = arith.constant 1 : i32
      %add3A_769 = arith.addi %add3A_519, %add3A_768 : i32
      %mul3A_770 = arith.constant 128 : i32
      %mul3A_771 = arith.muli %add3A_769, %mul3A_770 : i32
      %multiple_of3A_772 = tpu.assume_multiple %mul3A_771, 128 : i32
      %dma_start3A_773 = tpu.memref_slice %arg5[%multiple_of3A_772] : memref<10016xi32, #tpu.memory_space<vmem>> -> memref<128xi32, #tpu.memory_space<vmem>>
      %dma_start3A_774 = arith.constant 0 : i32
      %dma_start3A_775 = arith.constant 0 : i32
      %dma_start3A_776 = tpu.memref_slice %arg14[%dma_start3A_774, %dma_start3A_775] : memref<10000x128xf32, #tpu.memory_space<vmem_shared>> -> memref<10000x128xf32, #tpu.memory_space<vmem_shared>>
      tpu.enqueue_indirect_dma source(%dma_start3A_776 : memref<10000x128xf32, #tpu.memory_space<vmem_shared>>) target(%arg6 : memref<128x128xf32, #tpu.memory_space<vmem>>) offsets(%dma_start3A_773 : memref<128xi32, #tpu.memory_space<vmem>>) semaphore(%arg9 : memref<!tpu.dma_semaphore, #tpu.memory_space<semaphore_mem>>)
      %add3A_777 = arith.constant 1 : i32
      %add3A_778 = arith.addi %add3A_517, %add3A_777 : i32
      %dma_wait3A_779 = arith.constant 0 : i32
      %dma_wait3A_780 = arith.constant 0 : i32
      %dma_wait3A_781 = tpu.memref_slice %arg2[%dma_wait3A_779, %dma_wait3A_780] : memref<10000x128xf32, #tpu.memory_space<hbm>> -> memref<128x128xf32, #tpu.memory_space<hbm>>
      %dma_wait3A_782 = arith.constant 0 : i32
      %dma_wait3A_783 = arith.constant 0 : i32
      %dma_wait3A_784 = tpu.memref_slice %arg2[%dma_wait3A_782, %dma_wait3A_783] : memref<10000x128xf32, #tpu.memory_space<hbm>> -> memref<128x128xf32, #tpu.memory_space<hbm>>
      tpu.wait_dma2 semaphore(%arg9 : memref<!tpu.dma_semaphore, #tpu.memory_space<semaphore_mem>>) src(%dma_wait3A_784 : memref<128x128xf32, #tpu.memory_space<hbm>>) dst(%arg6 : memref<128x128xf32, #tpu.memory_space<vmem>>)
      %mul3A_785 = arith.constant 4 : i32
      %mul3A_786 = arith.muli %add3A_778, %mul3A_785 : i32
      %add3A_787 = arith.addi %add3A_5, %mul3A_786 : i32
      %add3A_788 = arith.constant 0 : i32
      %add3A_789 = arith.addi %add3A_787, %add3A_788 : i32
      %jit3A_790 = arith.constant 8 : i32
      %div3A_791 = arith.divsi %add3A_789, %jit3A_790 : i32
      %sign3A_792 = arith.constant 0 : i32
      %sign3A_793 = arith.cmpi sgt, %add3A_789, %sign3A_792 : i32
      %sign3A_794 = arith.extui %sign3A_793 : i1 to i32
      %sign3A_795 = arith.constant 0 : i32
      %sign3A_796 = arith.cmpi slt, %add3A_789, %sign3A_795 : i32
      %sign3A_797 = arith.extui %sign3A_796 : i1 to i32
      %sign3A_798 = arith.subi %sign3A_794, %sign3A_797 : i32
      %sign3A_799 = arith.constant 0 : i32
      %sign3A_800 = arith.cmpi sgt, %jit3A_790, %sign3A_799 : i32
      %sign3A_801 = arith.extui %sign3A_800 : i1 to i32
      %sign3A_802 = arith.constant 0 : i32
      %sign3A_803 = arith.cmpi slt, %jit3A_790, %sign3A_802 : i32
      %sign3A_804 = arith.extui %sign3A_803 : i1 to i32
      %sign3A_805 = arith.subi %sign3A_801, %sign3A_804 : i32
      %ne3A_806 = arith.cmpi ne, %sign3A_798, %sign3A_805 : i32
      %rem3A_807 = arith.remsi %add3A_789, %jit3A_790 : i32
      %ne3A_808 = arith.constant 0 : i32
      %ne3A_809 = arith.cmpi ne, %rem3A_807, %ne3A_808 : i32
      %and3A_810 = arith.andi %ne3A_806, %ne3A_809 : i1
      %sub3A_811 = arith.constant 1 : i32
      %sub3A_812 = arith.subi %div3A_791, %sub3A_811 : i32
      %select_n3A_813 = arith.select %and3A_810, %sub3A_812, %div3A_791 : i32
      %jit3A_814 = arith.constant 8 : i32
      %eq3A_815 = arith.constant 0 : i32
      %eq3A_816 = arith.cmpi eq, %jit3A_814, %eq3A_815 : i32
      %jit3A_817 = arith.constant 1 : i32
      %select_n3A_818 = arith.select %eq3A_816, %jit3A_817, %jit3A_814 : i32
      %rem3A_819 = arith.remsi %add3A_789, %select_n3A_818 : i32
      %ne3A_820 = arith.constant 0 : i32
      %ne3A_821 = arith.cmpi ne, %rem3A_819, %ne3A_820 : i32
      %lt3A_822 = arith.constant 0 : i32
      %lt3A_823 = arith.cmpi slt, %rem3A_819, %lt3A_822 : i32
      %lt3A_824 = arith.constant 0 : i32
      %lt3A_825 = arith.cmpi slt, %select_n3A_818, %lt3A_824 : i32
      %ne3A_826 = arith.xori %lt3A_823, %lt3A_825 : i1
      %and3A_827 = arith.andi %ne3A_826, %ne3A_821 : i1
      %add3A_828 = arith.addi %rem3A_819, %select_n3A_818 : i32
      %select_n3A_829 = arith.select %and3A_827, %add3A_828, %rem3A_819 : i32
      %dma_start3A_830 = arith.constant 0 : i32
      %dma_start3A_831 = arith.constant 0 : i32
      %dma_start3A_832 = tpu.memref_slice %arg6[%dma_start3A_830, %dma_start3A_831] : memref<128x128xf32, #tpu.memory_space<vmem>> -> memref<32x128xf32, #tpu.memory_space<vmem>>
      %dma_start3A_833 = arith.constant 0 : i32
      %dma_start3A_834 = arith.constant 0 : i32
      %dma_start3A_835 = tpu.memref_slice %arg4[%select_n3A_813, %dma_start3A_833, %select_n3A_829, %dma_start3A_834] : memref<1250x32x8x128xf32, #tpu.memory_space<hbm>> -> memref<1x32x1x128xf32, #tpu.memory_space<hbm>>
      %dma_start3A_836 = tpu.memref_squeeze %dma_start3A_835 : memref<1x32x1x128xf32, #tpu.memory_space<hbm>> -> memref<32x128xf32, #tpu.memory_space<hbm>>
      %dma_start3A_837 = arith.constant 0 : i32
      %dma_start3A_838 = arith.constant 0 : i32
      %dma_start3A_839 = tpu.memref_slice %arg4[%select_n3A_813, %dma_start3A_837, %select_n3A_829, %dma_start3A_838] : memref<1250x32x8x128xf32, #tpu.memory_space<hbm>> -> memref<1x32x1x128xf32, #tpu.memory_space<hbm>>
      %dma_start3A_840 = tpu.memref_squeeze %dma_start3A_839 : memref<1x32x1x128xf32, #tpu.memory_space<hbm>> -> memref<32x128xf32, #tpu.memory_space<hbm>>
      %dma_start3A_841 = arith.constant 0 : i32
      %dma_start3A_842 = arith.constant 0 : i32
      %dma_start3A_843 = tpu.memref_slice %arg6[%dma_start3A_841, %dma_start3A_842] : memref<128x128xf32, #tpu.memory_space<vmem>> -> memref<32x128xf32, #tpu.memory_space<vmem>>
      tpu.enqueue_dma source(%dma_start3A_843 : memref<32x128xf32, #tpu.memory_space<vmem>>) target(%dma_start3A_840 : memref<32x128xf32, #tpu.memory_space<hbm>>) target_semaphore(%arg11 : memref<!tpu.dma_semaphore, #tpu.memory_space<semaphore_mem>>)
      %mul3A_844 = arith.constant 4 : i32
      %mul3A_845 = arith.muli %add3A_778, %mul3A_844 : i32
      %add3A_846 = arith.addi %add3A_5, %mul3A_845 : i32
      %add3A_847 = arith.constant 1 : i32
      %add3A_848 = arith.addi %add3A_846, %add3A_847 : i32
      %jit3A_849 = arith.constant 8 : i32
      %div3A_850 = arith.divsi %add3A_848, %jit3A_849 : i32
      %sign3A_851 = arith.constant 0 : i32
      %sign3A_852 = arith.cmpi sgt, %add3A_848, %sign3A_851 : i32
      %sign3A_853 = arith.extui %sign3A_852 : i1 to i32
      %sign3A_854 = arith.constant 0 : i32
      %sign3A_855 = arith.cmpi slt, %add3A_848, %sign3A_854 : i32
      %sign3A_856 = arith.extui %sign3A_855 : i1 to i32
      %sign3A_857 = arith.subi %sign3A_853, %sign3A_856 : i32
      %sign3A_858 = arith.constant 0 : i32
      %sign3A_859 = arith.cmpi sgt, %jit3A_849, %sign3A_858 : i32
      %sign3A_860 = arith.extui %sign3A_859 : i1 to i32
      %sign3A_861 = arith.constant 0 : i32
      %sign3A_862 = arith.cmpi slt, %jit3A_849, %sign3A_861 : i32
      %sign3A_863 = arith.extui %sign3A_862 : i1 to i32
      %sign3A_864 = arith.subi %sign3A_860, %sign3A_863 : i32
      %ne3A_865 = arith.cmpi ne, %sign3A_857, %sign3A_864 : i32
      %rem3A_866 = arith.remsi %add3A_848, %jit3A_849 : i32
      %ne3A_867 = arith.constant 0 : i32
      %ne3A_868 = arith.cmpi ne, %rem3A_866, %ne3A_867 : i32
      %and3A_869 = arith.andi %ne3A_865, %ne3A_868 : i1
      %sub3A_870 = arith.constant 1 : i32
      %sub3A_871 = arith.subi %div3A_850, %sub3A_870 : i32
      %select_n3A_872 = arith.select %and3A_869, %sub3A_871, %div3A_850 : i32
      %jit3A_873 = arith.constant 8 : i32
      %eq3A_874 = arith.constant 0 : i32
      %eq3A_875 = arith.cmpi eq, %jit3A_873, %eq3A_874 : i32
      %jit3A_876 = arith.constant 1 : i32
      %select_n3A_877 = arith.select %eq3A_875, %jit3A_876, %jit3A_873 : i32
      %rem3A_878 = arith.remsi %add3A_848, %select_n3A_877 : i32
      %ne3A_879 = arith.constant 0 : i32
      %ne3A_880 = arith.cmpi ne, %rem3A_878, %ne3A_879 : i32
      %lt3A_881 = arith.constant 0 : i32
      %lt3A_882 = arith.cmpi slt, %rem3A_878, %lt3A_881 : i32
      %lt3A_883 = arith.constant 0 : i32
      %lt3A_884 = arith.cmpi slt, %select_n3A_877, %lt3A_883 : i32
      %ne3A_885 = arith.xori %lt3A_882, %lt3A_884 : i1
      %and3A_886 = arith.andi %ne3A_885, %ne3A_880 : i1
      %add3A_887 = arith.addi %rem3A_878, %select_n3A_877 : i32
      %select_n3A_888 = arith.select %and3A_886, %add3A_887, %rem3A_878 : i32
      %dma_start3A_889 = arith.constant 32 : i32
      %dma_start3A_890 = arith.constant 0 : i32
      %dma_start3A_891 = tpu.memref_slice %arg6[%dma_start3A_889, %dma_start3A_890] : memref<128x128xf32, #tpu.memory_space<vmem>> -> memref<32x128xf32, #tpu.memory_space<vmem>>
      %dma_start3A_892 = arith.constant 0 : i32
      %dma_start3A_893 = arith.constant 0 : i32
      %dma_start3A_894 = tpu.memref_slice %arg4[%select_n3A_872, %dma_start3A_892, %select_n3A_888, %dma_start3A_893] : memref<1250x32x8x128xf32, #tpu.memory_space<hbm>> -> memref<1x32x1x128xf32, #tpu.memory_space<hbm>>
      %dma_start3A_895 = tpu.memref_squeeze %dma_start3A_894 : memref<1x32x1x128xf32, #tpu.memory_space<hbm>> -> memref<32x128xf32, #tpu.memory_space<hbm>>
      %dma_start3A_896 = arith.constant 0 : i32
      %dma_start3A_897 = arith.constant 0 : i32
      %dma_start3A_898 = tpu.memref_slice %arg4[%select_n3A_872, %dma_start3A_896, %select_n3A_888, %dma_start3A_897] : memref<1250x32x8x128xf32, #tpu.memory_space<hbm>> -> memref<1x32x1x128xf32, #tpu.memory_space<hbm>>
      %dma_start3A_899 = tpu.memref_squeeze %dma_start3A_898 : memref<1x32x1x128xf32, #tpu.memory_space<hbm>> -> memref<32x128xf32, #tpu.memory_space<hbm>>
      %dma_start3A_900 = arith.constant 32 : i32
      %dma_start3A_901 = arith.constant 0 : i32
      %dma_start3A_902 = tpu.memref_slice %arg6[%dma_start3A_900, %dma_start3A_901] : memref<128x128xf32, #tpu.memory_space<vmem>> -> memref<32x128xf32, #tpu.memory_space<vmem>>
      tpu.enqueue_dma source(%dma_start3A_902 : memref<32x128xf32, #tpu.memory_space<vmem>>) target(%dma_start3A_899 : memref<32x128xf32, #tpu.memory_space<hbm>>) target_semaphore(%arg11 : memref<!tpu.dma_semaphore, #tpu.memory_space<semaphore_mem>>)
      %mul3A_903 = arith.constant 4 : i32
      %mul3A_904 = arith.muli %add3A_778, %mul3A_903 : i32
      %add3A_905 = arith.addi %add3A_5, %mul3A_904 : i32
      %add3A_906 = arith.constant 2 : i32
      %add3A_907 = arith.addi %add3A_905, %add3A_906 : i32
      %jit3A_908 = arith.constant 8 : i32
      %div3A_909 = arith.divsi %add3A_907, %jit3A_908 : i32
      %sign3A_910 = arith.constant 0 : i32
      %sign3A_911 = arith.cmpi sgt, %add3A_907, %sign3A_910 : i32
      %sign3A_912 = arith.extui %sign3A_911 : i1 to i32
      %sign3A_913 = arith.constant 0 : i32
      %sign3A_914 = arith.cmpi slt, %add3A_907, %sign3A_913 : i32
      %sign3A_915 = arith.extui %sign3A_914 : i1 to i32
      %sign3A_916 = arith.subi %sign3A_912, %sign3A_915 : i32
      %sign3A_917 = arith.constant 0 : i32
      %sign3A_918 = arith.cmpi sgt, %jit3A_908, %sign3A_917 : i32
      %sign3A_919 = arith.extui %sign3A_918 : i1 to i32
      %sign3A_920 = arith.constant 0 : i32
      %sign3A_921 = arith.cmpi slt, %jit3A_908, %sign3A_920 : i32
      %sign3A_922 = arith.extui %sign3A_921 : i1 to i32
      %sign3A_923 = arith.subi %sign3A_919, %sign3A_922 : i32
      %ne3A_924 = arith.cmpi ne, %sign3A_916, %sign3A_923 : i32
      %rem3A_925 = arith.remsi %add3A_907, %jit3A_908 : i32
      %ne3A_926 = arith.constant 0 : i32
      %ne3A_927 = arith.cmpi ne, %rem3A_925, %ne3A_926 : i32
      %and3A_928 = arith.andi %ne3A_924, %ne3A_927 : i1
      %sub3A_929 = arith.constant 1 : i32
      %sub3A_930 = arith.subi %div3A_909, %sub3A_929 : i32
      %select_n3A_931 = arith.select %and3A_928, %sub3A_930, %div3A_909 : i32
      %jit3A_932 = arith.constant 8 : i32
      %eq3A_933 = arith.constant 0 : i32
      %eq3A_934 = arith.cmpi eq, %jit3A_932, %eq3A_933 : i32
      %jit3A_935 = arith.constant 1 : i32
      %select_n3A_936 = arith.select %eq3A_934, %jit3A_935, %jit3A_932 : i32
      %rem3A_937 = arith.remsi %add3A_907, %select_n3A_936 : i32
      %ne3A_938 = arith.constant 0 : i32
      %ne3A_939 = arith.cmpi ne, %rem3A_937, %ne3A_938 : i32
      %lt3A_940 = arith.constant 0 : i32
      %lt3A_941 = arith.cmpi slt, %rem3A_937, %lt3A_940 : i32
      %lt3A_942 = arith.constant 0 : i32
      %lt3A_943 = arith.cmpi slt, %select_n3A_936, %lt3A_942 : i32
      %ne3A_944 = arith.xori %lt3A_941, %lt3A_943 : i1
      %and3A_945 = arith.andi %ne3A_944, %ne3A_939 : i1
      %add3A_946 = arith.addi %rem3A_937, %select_n3A_936 : i32
      %select_n3A_947 = arith.select %and3A_945, %add3A_946, %rem3A_937 : i32
      %dma_start3A_948 = arith.constant 64 : i32
      %dma_start3A_949 = arith.constant 0 : i32
      %dma_start3A_950 = tpu.memref_slice %arg6[%dma_start3A_948, %dma_start3A_949] : memref<128x128xf32, #tpu.memory_space<vmem>> -> memref<32x128xf32, #tpu.memory_space<vmem>>
      %dma_start3A_951 = arith.constant 0 : i32
      %dma_start3A_952 = arith.constant 0 : i32
      %dma_start3A_953 = tpu.memref_slice %arg4[%select_n3A_931, %dma_start3A_951, %select_n3A_947, %dma_start3A_952] : memref<1250x32x8x128xf32, #tpu.memory_space<hbm>> -> memref<1x32x1x128xf32, #tpu.memory_space<hbm>>
      %dma_start3A_954 = tpu.memref_squeeze %dma_start3A_953 : memref<1x32x1x128xf32, #tpu.memory_space<hbm>> -> memref<32x128xf32, #tpu.memory_space<hbm>>
      %dma_start3A_955 = arith.constant 0 : i32
      %dma_start3A_956 = arith.constant 0 : i32
      %dma_start3A_957 = tpu.memref_slice %arg4[%select_n3A_931, %dma_start3A_955, %select_n3A_947, %dma_start3A_956] : memref<1250x32x8x128xf32, #tpu.memory_space<hbm>> -> memref<1x32x1x128xf32, #tpu.memory_space<hbm>>
      %dma_start3A_958 = tpu.memref_squeeze %dma_start3A_957 : memref<1x32x1x128xf32, #tpu.memory_space<hbm>> -> memref<32x128xf32, #tpu.memory_space<hbm>>
      %dma_start3A_959 = arith.constant 64 : i32
      %dma_start3A_960 = arith.constant 0 : i32
      %dma_start3A_961 = tpu.memref_slice %arg6[%dma_start3A_959, %dma_start3A_960] : memref<128x128xf32, #tpu.memory_space<vmem>> -> memref<32x128xf32, #tpu.memory_space<vmem>>
      tpu.enqueue_dma source(%dma_start3A_961 : memref<32x128xf32, #tpu.memory_space<vmem>>) target(%dma_start3A_958 : memref<32x128xf32, #tpu.memory_space<hbm>>) target_semaphore(%arg11 : memref<!tpu.dma_semaphore, #tpu.memory_space<semaphore_mem>>)
      %mul3A_962 = arith.constant 4 : i32
      %mul3A_963 = arith.muli %add3A_778, %mul3A_962 : i32
      %add3A_964 = arith.addi %add3A_5, %mul3A_963 : i32
      %add3A_965 = arith.constant 3 : i32
      %add3A_966 = arith.addi %add3A_964, %add3A_965 : i32
      %jit3A_967 = arith.constant 8 : i32
      %div3A_968 = arith.divsi %add3A_966, %jit3A_967 : i32
      %sign3A_969 = arith.constant 0 : i32
      %sign3A_970 = arith.cmpi sgt, %add3A_966, %sign3A_969 : i32
      %sign3A_971 = arith.extui %sign3A_970 : i1 to i32
      %sign3A_972 = arith.constant 0 : i32
      %sign3A_973 = arith.cmpi slt, %add3A_966, %sign3A_972 : i32
      %sign3A_974 = arith.extui %sign3A_973 : i1 to i32
      %sign3A_975 = arith.subi %sign3A_971, %sign3A_974 : i32
      %sign3A_976 = arith.constant 0 : i32
      %sign3A_977 = arith.cmpi sgt, %jit3A_967, %sign3A_976 : i32
      %sign3A_978 = arith.extui %sign3A_977 : i1 to i32
      %sign3A_979 = arith.constant 0 : i32
      %sign3A_980 = arith.cmpi slt, %jit3A_967, %sign3A_979 : i32
      %sign3A_981 = arith.extui %sign3A_980 : i1 to i32
      %sign3A_982 = arith.subi %sign3A_978, %sign3A_981 : i32
      %ne3A_983 = arith.cmpi ne, %sign3A_975, %sign3A_982 : i32
      %rem3A_984 = arith.remsi %add3A_966, %jit3A_967 : i32
      %ne3A_985 = arith.constant 0 : i32
      %ne3A_986 = arith.cmpi ne, %rem3A_984, %ne3A_985 : i32
      %and3A_987 = arith.andi %ne3A_983, %ne3A_986 : i1
      %sub3A_988 = arith.constant 1 : i32
      %sub3A_989 = arith.subi %div3A_968, %sub3A_988 : i32
      %select_n3A_990 = arith.select %and3A_987, %sub3A_989, %div3A_968 : i32
      %jit3A_991 = arith.constant 8 : i32
      %eq3A_992 = arith.constant 0 : i32
      %eq3A_993 = arith.cmpi eq, %jit3A_991, %eq3A_992 : i32
      %jit3A_994 = arith.constant 1 : i32
      %select_n3A_995 = arith.select %eq3A_993, %jit3A_994, %jit3A_991 : i32
      %rem3A_996 = arith.remsi %add3A_966, %select_n3A_995 : i32
      %ne3A_997 = arith.constant 0 : i32
      %ne3A_998 = arith.cmpi ne, %rem3A_996, %ne3A_997 : i32
      %lt3A_999 = arith.constant 0 : i32
      %lt3A_1000 = arith.cmpi slt, %rem3A_996, %lt3A_999 : i32
      %lt3A_1001 = arith.constant 0 : i32
      %lt3A_1002 = arith.cmpi slt, %select_n3A_995, %lt3A_1001 : i32
      %ne3A_1003 = arith.xori %lt3A_1000, %lt3A_1002 : i1
      %and3A_1004 = arith.andi %ne3A_1003, %ne3A_998 : i1
      %add3A_1005 = arith.addi %rem3A_996, %select_n3A_995 : i32
      %select_n3A_1006 = arith.select %and3A_1004, %add3A_1005, %rem3A_996 : i32
      %dma_start3A_1007 = arith.constant 96 : i32
      %dma_start3A_1008 = arith.constant 0 : i32
      %dma_start3A_1009 = tpu.memref_slice %arg6[%dma_start3A_1007, %dma_start3A_1008] : memref<128x128xf32, #tpu.memory_space<vmem>> -> memref<32x128xf32, #tpu.memory_space<vmem>>
      %dma_start3A_1010 = arith.constant 0 : i32
      %dma_start3A_1011 = arith.constant 0 : i32
      %dma_start3A_1012 = tpu.memref_slice %arg4[%select_n3A_990, %dma_start3A_1010, %select_n3A_1006, %dma_start3A_1011] : memref<1250x32x8x128xf32, #tpu.memory_space<hbm>> -> memref<1x32x1x128xf32, #tpu.memory_space<hbm>>
      %dma_start3A_1013 = tpu.memref_squeeze %dma_start3A_1012 : memref<1x32x1x128xf32, #tpu.memory_space<hbm>> -> memref<32x128xf32, #tpu.memory_space<hbm>>
      %dma_start3A_1014 = arith.constant 0 : i32
      %dma_start3A_1015 = arith.constant 0 : i32
      %dma_start3A_1016 = tpu.memref_slice %arg4[%select_n3A_990, %dma_start3A_1014, %select_n3A_1006, %dma_start3A_1015] : memref<1250x32x8x128xf32, #tpu.memory_space<hbm>> -> memref<1x32x1x128xf32, #tpu.memory_space<hbm>>
      %dma_start3A_1017 = tpu.memref_squeeze %dma_start3A_1016 : memref<1x32x1x128xf32, #tpu.memory_space<hbm>> -> memref<32x128xf32, #tpu.memory_space<hbm>>
      %dma_start3A_1018 = arith.constant 96 : i32
      %dma_start3A_1019 = arith.constant 0 : i32
      %dma_start3A_1020 = tpu.memref_slice %arg6[%dma_start3A_1018, %dma_start3A_1019] : memref<128x128xf32, #tpu.memory_space<vmem>> -> memref<32x128xf32, #tpu.memory_space<vmem>>
      tpu.enqueue_dma source(%dma_start3A_1020 : memref<32x128xf32, #tpu.memory_space<vmem>>) target(%dma_start3A_1017 : memref<32x128xf32, #tpu.memory_space<hbm>>) target_semaphore(%arg11 : memref<!tpu.dma_semaphore, #tpu.memory_space<semaphore_mem>>)
      %dma_wait3A_1021 = arith.constant 0 : i32
      %dma_wait3A_1022 = arith.constant 0 : i32
      %dma_wait3A_1023 = tpu.memref_slice %arg2[%dma_wait3A_1021, %dma_wait3A_1022] : memref<10000x128xf32, #tpu.memory_space<hbm>> -> memref<128x128xf32, #tpu.memory_space<hbm>>
      %dma_wait3A_1024 = arith.constant 0 : i32
      %dma_wait3A_1025 = arith.constant 0 : i32
      %dma_wait3A_1026 = tpu.memref_slice %arg2[%dma_wait3A_1024, %dma_wait3A_1025] : memref<10000x128xf32, #tpu.memory_space<hbm>> -> memref<128x128xf32, #tpu.memory_space<hbm>>
      tpu.wait_dma2 semaphore(%arg12 : memref<!tpu.dma_semaphore, #tpu.memory_space<semaphore_mem>>) src(%dma_wait3A_1026 : memref<128x128xf32, #tpu.memory_space<hbm>>) dst(%arg7 : memref<128x128xf32, #tpu.memory_space<vmem>>)
      %add3A_1027 = arith.constant 1 : i32
      %add3A_1028 = arith.addi %add3A_778, %add3A_1027 : i32
      %mul3A_1029 = arith.constant 128 : i32
      %mul3A_1030 = arith.muli %add3A_1028, %mul3A_1029 : i32
      %multiple_of3A_1031 = tpu.assume_multiple %mul3A_1030, 128 : i32
      %dma_start3A_1032 = tpu.memref_slice %arg5[%multiple_of3A_1031] : memref<10016xi32, #tpu.memory_space<vmem>> -> memref<128xi32, #tpu.memory_space<vmem>>
      %dma_start3A_1033 = arith.constant 0 : i32
      %dma_start3A_1034 = arith.constant 0 : i32
      %dma_start3A_1035 = tpu.memref_slice %arg14[%dma_start3A_1033, %dma_start3A_1034] : memref<10000x128xf32, #tpu.memory_space<vmem_shared>> -> memref<10000x128xf32, #tpu.memory_space<vmem_shared>>
      tpu.enqueue_indirect_dma source(%dma_start3A_1035 : memref<10000x128xf32, #tpu.memory_space<vmem_shared>>) target(%arg7 : memref<128x128xf32, #tpu.memory_space<vmem>>) offsets(%dma_start3A_1032 : memref<128xi32, #tpu.memory_space<vmem>>) semaphore(%arg10 : memref<!tpu.dma_semaphore, #tpu.memory_space<semaphore_mem>>)
    }
    %scan3A_257 = arith.constant 38 : i32
    %dma_wait3A_258 = arith.constant 0 : i32
    %dma_wait3A_259 = arith.constant 0 : i32
    %dma_wait3A_260 = tpu.memref_slice %arg2[%dma_wait3A_258, %dma_wait3A_259] : memref<10000x128xf32, #tpu.memory_space<hbm>> -> memref<128x128xf32, #tpu.memory_space<hbm>>
    %dma_wait3A_261 = arith.constant 0 : i32
    %dma_wait3A_262 = arith.constant 0 : i32
    %dma_wait3A_263 = tpu.memref_slice %arg2[%dma_wait3A_261, %dma_wait3A_262] : memref<10000x128xf32, #tpu.memory_space<hbm>> -> memref<128x128xf32, #tpu.memory_space<hbm>>
    tpu.wait_dma2 semaphore(%arg10 : memref<!tpu.dma_semaphore, #tpu.memory_space<semaphore_mem>>) src(%dma_wait3A_263 : memref<128x128xf32, #tpu.memory_space<hbm>>) dst(%arg7 : memref<128x128xf32, #tpu.memory_space<vmem>>)
    %add3A_264 = arith.constant 308 : i32
    %add3A_265 = arith.addi %add3A_5, %add3A_264 : i32
    %add3A_266 = arith.constant 0 : i32
    %add3A_267 = arith.addi %add3A_265, %add3A_266 : i32
    %jit3A_268 = arith.constant 8 : i32
    %div3A_269 = arith.divsi %add3A_267, %jit3A_268 : i32
    %sign3A_270 = arith.constant 0 : i32
    %sign3A_271 = arith.cmpi sgt, %add3A_267, %sign3A_270 : i32
    %sign3A_272 = arith.extui %sign3A_271 : i1 to i32
    %sign3A_273 = arith.constant 0 : i32
    %sign3A_274 = arith.cmpi slt, %add3A_267, %sign3A_273 : i32
    %sign3A_275 = arith.extui %sign3A_274 : i1 to i32
    %sign3A_276 = arith.subi %sign3A_272, %sign3A_275 : i32
    %sign3A_277 = arith.constant 0 : i32
    %sign3A_278 = arith.cmpi sgt, %jit3A_268, %sign3A_277 : i32
    %sign3A_279 = arith.extui %sign3A_278 : i1 to i32
    %sign3A_280 = arith.constant 0 : i32
    %sign3A_281 = arith.cmpi slt, %jit3A_268, %sign3A_280 : i32
    %sign3A_282 = arith.extui %sign3A_281 : i1 to i32
    %sign3A_283 = arith.subi %sign3A_279, %sign3A_282 : i32
    %ne3A_284 = arith.cmpi ne, %sign3A_276, %sign3A_283 : i32
    %rem3A_285 = arith.remsi %add3A_267, %jit3A_268 : i32
    %ne3A_286 = arith.constant 0 : i32
    %ne3A_287 = arith.cmpi ne, %rem3A_285, %ne3A_286 : i32
    %and3A_288 = arith.andi %ne3A_284, %ne3A_287 : i1
    %sub3A_289 = arith.constant 1 : i32
    %sub3A_290 = arith.subi %div3A_269, %sub3A_289 : i32
    %select_n3A_291 = arith.select %and3A_288, %sub3A_290, %div3A_269 : i32
    %jit3A_292 = arith.constant 8 : i32
    %eq3A_293 = arith.constant 0 : i32
    %eq3A_294 = arith.cmpi eq, %jit3A_292, %eq3A_293 : i32
    %jit3A_295 = arith.constant 1 : i32
    %select_n3A_296 = arith.select %eq3A_294, %jit3A_295, %jit3A_292 : i32
    %rem3A_297 = arith.remsi %add3A_267, %select_n3A_296 : i32
    %ne3A_298 = arith.constant 0 : i32
    %ne3A_299 = arith.cmpi ne, %rem3A_297, %ne3A_298 : i32
    %lt3A_300 = arith.constant 0 : i32
    %lt3A_301 = arith.cmpi slt, %rem3A_297, %lt3A_300 : i32
    %lt3A_302 = arith.constant 0 : i32
    %lt3A_303 = arith.cmpi slt, %select_n3A_296, %lt3A_302 : i32
    %ne3A_304 = arith.xori %lt3A_301, %lt3A_303 : i1
    %and3A_305 = arith.andi %ne3A_304, %ne3A_299 : i1
    %add3A_306 = arith.addi %rem3A_297, %select_n3A_296 : i32
    %select_n3A_307 = arith.select %and3A_305, %add3A_306, %rem3A_297 : i32
    %dma_start3A_308 = arith.constant 0 : i32
    %dma_start3A_309 = arith.constant 0 : i32
    %dma_start3A_310 = tpu.memref_slice %arg7[%dma_start3A_308, %dma_start3A_309] : memref<128x128xf32, #tpu.memory_space<vmem>> -> memref<32x128xf32, #tpu.memory_space<vmem>>
    %dma_start3A_311 = arith.constant 0 : i32
    %dma_start3A_312 = arith.constant 0 : i32
    %dma_start3A_313 = tpu.memref_slice %arg4[%select_n3A_291, %dma_start3A_311, %select_n3A_307, %dma_start3A_312] : memref<1250x32x8x128xf32, #tpu.memory_space<hbm>> -> memref<1x32x1x128xf32, #tpu.memory_space<hbm>>
    %dma_start3A_314 = tpu.memref_squeeze %dma_start3A_313 : memref<1x32x1x128xf32, #tpu.memory_space<hbm>> -> memref<32x128xf32, #tpu.memory_space<hbm>>
    %dma_start3A_315 = arith.constant 0 : i32
    %dma_start3A_316 = arith.constant 0 : i32
    %dma_start3A_317 = tpu.memref_slice %arg4[%select_n3A_291, %dma_start3A_315, %select_n3A_307, %dma_start3A_316] : memref<1250x32x8x128xf32, #tpu.memory_space<hbm>> -> memref<1x32x1x128xf32, #tpu.memory_space<hbm>>
    %dma_start3A_318 = tpu.memref_squeeze %dma_start3A_317 : memref<1x32x1x128xf32, #tpu.memory_space<hbm>> -> memref<32x128xf32, #tpu.memory_space<hbm>>
    %dma_start3A_319 = arith.constant 0 : i32
    %dma_start3A_320 = arith.constant 0 : i32
    %dma_start3A_321 = tpu.memref_slice %arg7[%dma_start3A_319, %dma_start3A_320] : memref<128x128xf32, #tpu.memory_space<vmem>> -> memref<32x128xf32, #tpu.memory_space<vmem>>
    tpu.enqueue_dma source(%dma_start3A_321 : memref<32x128xf32, #tpu.memory_space<vmem>>) target(%dma_start3A_318 : memref<32x128xf32, #tpu.memory_space<hbm>>) target_semaphore(%arg12 : memref<!tpu.dma_semaphore, #tpu.memory_space<semaphore_mem>>)
    %add3A_322 = arith.constant 308 : i32
    %add3A_323 = arith.addi %add3A_5, %add3A_322 : i32
    %add3A_324 = arith.constant 1 : i32
    %add3A_325 = arith.addi %add3A_323, %add3A_324 : i32
    %jit3A_326 = arith.constant 8 : i32
    %div3A_327 = arith.divsi %add3A_325, %jit3A_326 : i32
    %sign3A_328 = arith.constant 0 : i32
    %sign3A_329 = arith.cmpi sgt, %add3A_325, %sign3A_328 : i32
    %sign3A_330 = arith.extui %sign3A_329 : i1 to i32
    %sign3A_331 = arith.constant 0 : i32
    %sign3A_332 = arith.cmpi slt, %add3A_325, %sign3A_331 : i32
    %sign3A_333 = arith.extui %sign3A_332 : i1 to i32
    %sign3A_334 = arith.subi %sign3A_330, %sign3A_333 : i32
    %sign3A_335 = arith.constant 0 : i32
    %sign3A_336 = arith.cmpi sgt, %jit3A_326, %sign3A_335 : i32
    %sign3A_337 = arith.extui %sign3A_336 : i1 to i32
    %sign3A_338 = arith.constant 0 : i32
    %sign3A_339 = arith.cmpi slt, %jit3A_326, %sign3A_338 : i32
    %sign3A_340 = arith.extui %sign3A_339 : i1 to i32
    %sign3A_341 = arith.subi %sign3A_337, %sign3A_340 : i32
    %ne3A_342 = arith.cmpi ne, %sign3A_334, %sign3A_341 : i32
    %rem3A_343 = arith.remsi %add3A_325, %jit3A_326 : i32
    %ne3A_344 = arith.constant 0 : i32
    %ne3A_345 = arith.cmpi ne, %rem3A_343, %ne3A_344 : i32
    %and3A_346 = arith.andi %ne3A_342, %ne3A_345 : i1
    %sub3A_347 = arith.constant 1 : i32
    %sub3A_348 = arith.subi %div3A_327, %sub3A_347 : i32
    %select_n3A_349 = arith.select %and3A_346, %sub3A_348, %div3A_327 : i32
    %jit3A_350 = arith.constant 8 : i32
    %eq3A_351 = arith.constant 0 : i32
    %eq3A_352 = arith.cmpi eq, %jit3A_350, %eq3A_351 : i32
    %jit3A_353 = arith.constant 1 : i32
    %select_n3A_354 = arith.select %eq3A_352, %jit3A_353, %jit3A_350 : i32
    %rem3A_355 = arith.remsi %add3A_325, %select_n3A_354 : i32
    %ne3A_356 = arith.constant 0 : i32
    %ne3A_357 = arith.cmpi ne, %rem3A_355, %ne3A_356 : i32
    %lt3A_358 = arith.constant 0 : i32
    %lt3A_359 = arith.cmpi slt, %rem3A_355, %lt3A_358 : i32
    %lt3A_360 = arith.constant 0 : i32
    %lt3A_361 = arith.cmpi slt, %select_n3A_354, %lt3A_360 : i32
    %ne3A_362 = arith.xori %lt3A_359, %lt3A_361 : i1
    %and3A_363 = arith.andi %ne3A_362, %ne3A_357 : i1
    %add3A_364 = arith.addi %rem3A_355, %select_n3A_354 : i32
    %select_n3A_365 = arith.select %and3A_363, %add3A_364, %rem3A_355 : i32
    %dma_start3A_366 = arith.constant 32 : i32
    %dma_start3A_367 = arith.constant 0 : i32
    %dma_start3A_368 = tpu.memref_slice %arg7[%dma_start3A_366, %dma_start3A_367] : memref<128x128xf32, #tpu.memory_space<vmem>> -> memref<32x128xf32, #tpu.memory_space<vmem>>
    %dma_start3A_369 = arith.constant 0 : i32
    %dma_start3A_370 = arith.constant 0 : i32
    %dma_start3A_371 = tpu.memref_slice %arg4[%select_n3A_349, %dma_start3A_369, %select_n3A_365, %dma_start3A_370] : memref<1250x32x8x128xf32, #tpu.memory_space<hbm>> -> memref<1x32x1x128xf32, #tpu.memory_space<hbm>>
    %dma_start3A_372 = tpu.memref_squeeze %dma_start3A_371 : memref<1x32x1x128xf32, #tpu.memory_space<hbm>> -> memref<32x128xf32, #tpu.memory_space<hbm>>
    %dma_start3A_373 = arith.constant 0 : i32
    %dma_start3A_374 = arith.constant 0 : i32
    %dma_start3A_375 = tpu.memref_slice %arg4[%select_n3A_349, %dma_start3A_373, %select_n3A_365, %dma_start3A_374] : memref<1250x32x8x128xf32, #tpu.memory_space<hbm>> -> memref<1x32x1x128xf32, #tpu.memory_space<hbm>>
    %dma_start3A_376 = tpu.memref_squeeze %dma_start3A_375 : memref<1x32x1x128xf32, #tpu.memory_space<hbm>> -> memref<32x128xf32, #tpu.memory_space<hbm>>
    %dma_start3A_377 = arith.constant 32 : i32
    %dma_start3A_378 = arith.constant 0 : i32
    %dma_start3A_379 = tpu.memref_slice %arg7[%dma_start3A_377, %dma_start3A_378] : memref<128x128xf32, #tpu.memory_space<vmem>> -> memref<32x128xf32, #tpu.memory_space<vmem>>
    tpu.enqueue_dma source(%dma_start3A_379 : memref<32x128xf32, #tpu.memory_space<vmem>>) target(%dma_start3A_376 : memref<32x128xf32, #tpu.memory_space<hbm>>) target_semaphore(%arg12 : memref<!tpu.dma_semaphore, #tpu.memory_space<semaphore_mem>>)
    %add3A_380 = arith.constant 308 : i32
    %add3A_381 = arith.addi %add3A_5, %add3A_380 : i32
    %add3A_382 = arith.constant 2 : i32
    %add3A_383 = arith.addi %add3A_381, %add3A_382 : i32
    %jit3A_384 = arith.constant 8 : i32
    %div3A_385 = arith.divsi %add3A_383, %jit3A_384 : i32
    %sign3A_386 = arith.constant 0 : i32
    %sign3A_387 = arith.cmpi sgt, %add3A_383, %sign3A_386 : i32
    %sign3A_388 = arith.extui %sign3A_387 : i1 to i32
    %sign3A_389 = arith.constant 0 : i32
    %sign3A_390 = arith.cmpi slt, %add3A_383, %sign3A_389 : i32
    %sign3A_391 = arith.extui %sign3A_390 : i1 to i32
    %sign3A_392 = arith.subi %sign3A_388, %sign3A_391 : i32
    %sign3A_393 = arith.constant 0 : i32
    %sign3A_394 = arith.cmpi sgt, %jit3A_384, %sign3A_393 : i32
    %sign3A_395 = arith.extui %sign3A_394 : i1 to i32
    %sign3A_396 = arith.constant 0 : i32
    %sign3A_397 = arith.cmpi slt, %jit3A_384, %sign3A_396 : i32
    %sign3A_398 = arith.extui %sign3A_397 : i1 to i32
    %sign3A_399 = arith.subi %sign3A_395, %sign3A_398 : i32
    %ne3A_400 = arith.cmpi ne, %sign3A_392, %sign3A_399 : i32
    %rem3A_401 = arith.remsi %add3A_383, %jit3A_384 : i32
    %ne3A_402 = arith.constant 0 : i32
    %ne3A_403 = arith.cmpi ne, %rem3A_401, %ne3A_402 : i32
    %and3A_404 = arith.andi %ne3A_400, %ne3A_403 : i1
    %sub3A_405 = arith.constant 1 : i32
    %sub3A_406 = arith.subi %div3A_385, %sub3A_405 : i32
    %select_n3A_407 = arith.select %and3A_404, %sub3A_406, %div3A_385 : i32
    %jit3A_408 = arith.constant 8 : i32
    %eq3A_409 = arith.constant 0 : i32
    %eq3A_410 = arith.cmpi eq, %jit3A_408, %eq3A_409 : i32
    %jit3A_411 = arith.constant 1 : i32
    %select_n3A_412 = arith.select %eq3A_410, %jit3A_411, %jit3A_408 : i32
    %rem3A_413 = arith.remsi %add3A_383, %select_n3A_412 : i32
    %ne3A_414 = arith.constant 0 : i32
    %ne3A_415 = arith.cmpi ne, %rem3A_413, %ne3A_414 : i32
    %lt3A_416 = arith.constant 0 : i32
    %lt3A_417 = arith.cmpi slt, %rem3A_413, %lt3A_416 : i32
    %lt3A_418 = arith.constant 0 : i32
    %lt3A_419 = arith.cmpi slt, %select_n3A_412, %lt3A_418 : i32
    %ne3A_420 = arith.xori %lt3A_417, %lt3A_419 : i1
    %and3A_421 = arith.andi %ne3A_420, %ne3A_415 : i1
    %add3A_422 = arith.addi %rem3A_413, %select_n3A_412 : i32
    %select_n3A_423 = arith.select %and3A_421, %add3A_422, %rem3A_413 : i32
    %dma_start3A_424 = arith.constant 64 : i32
    %dma_start3A_425 = arith.constant 0 : i32
    %dma_start3A_426 = tpu.memref_slice %arg7[%dma_start3A_424, %dma_start3A_425] : memref<128x128xf32, #tpu.memory_space<vmem>> -> memref<32x128xf32, #tpu.memory_space<vmem>>
    %dma_start3A_427 = arith.constant 0 : i32
    %dma_start3A_428 = arith.constant 0 : i32
    %dma_start3A_429 = tpu.memref_slice %arg4[%select_n3A_407, %dma_start3A_427, %select_n3A_423, %dma_start3A_428] : memref<1250x32x8x128xf32, #tpu.memory_space<hbm>> -> memref<1x32x1x128xf32, #tpu.memory_space<hbm>>
    %dma_start3A_430 = tpu.memref_squeeze %dma_start3A_429 : memref<1x32x1x128xf32, #tpu.memory_space<hbm>> -> memref<32x128xf32, #tpu.memory_space<hbm>>
    %dma_start3A_431 = arith.constant 0 : i32
    %dma_start3A_432 = arith.constant 0 : i32
    %dma_start3A_433 = tpu.memref_slice %arg4[%select_n3A_407, %dma_start3A_431, %select_n3A_423, %dma_start3A_432] : memref<1250x32x8x128xf32, #tpu.memory_space<hbm>> -> memref<1x32x1x128xf32, #tpu.memory_space<hbm>>
    %dma_start3A_434 = tpu.memref_squeeze %dma_start3A_433 : memref<1x32x1x128xf32, #tpu.memory_space<hbm>> -> memref<32x128xf32, #tpu.memory_space<hbm>>
    %dma_start3A_435 = arith.constant 64 : i32
    %dma_start3A_436 = arith.constant 0 : i32
    %dma_start3A_437 = tpu.memref_slice %arg7[%dma_start3A_435, %dma_start3A_436] : memref<128x128xf32, #tpu.memory_space<vmem>> -> memref<32x128xf32, #tpu.memory_space<vmem>>
    tpu.enqueue_dma source(%dma_start3A_437 : memref<32x128xf32, #tpu.memory_space<vmem>>) target(%dma_start3A_434 : memref<32x128xf32, #tpu.memory_space<hbm>>) target_semaphore(%arg12 : memref<!tpu.dma_semaphore, #tpu.memory_space<semaphore_mem>>)
    %add3A_438 = arith.constant 308 : i32
    %add3A_439 = arith.addi %add3A_5, %add3A_438 : i32
    %add3A_440 = arith.constant 3 : i32
    %add3A_441 = arith.addi %add3A_439, %add3A_440 : i32
    %jit3A_442 = arith.constant 8 : i32
    %div3A_443 = arith.divsi %add3A_441, %jit3A_442 : i32
    %sign3A_444 = arith.constant 0 : i32
    %sign3A_445 = arith.cmpi sgt, %add3A_441, %sign3A_444 : i32
    %sign3A_446 = arith.extui %sign3A_445 : i1 to i32
    %sign3A_447 = arith.constant 0 : i32
    %sign3A_448 = arith.cmpi slt, %add3A_441, %sign3A_447 : i32
    %sign3A_449 = arith.extui %sign3A_448 : i1 to i32
    %sign3A_450 = arith.subi %sign3A_446, %sign3A_449 : i32
    %sign3A_451 = arith.constant 0 : i32
    %sign3A_452 = arith.cmpi sgt, %jit3A_442, %sign3A_451 : i32
    %sign3A_453 = arith.extui %sign3A_452 : i1 to i32
    %sign3A_454 = arith.constant 0 : i32
    %sign3A_455 = arith.cmpi slt, %jit3A_442, %sign3A_454 : i32
    %sign3A_456 = arith.extui %sign3A_455 : i1 to i32
    %sign3A_457 = arith.subi %sign3A_453, %sign3A_456 : i32
    %ne3A_458 = arith.cmpi ne, %sign3A_450, %sign3A_457 : i32
    %rem3A_459 = arith.remsi %add3A_441, %jit3A_442 : i32
    %ne3A_460 = arith.constant 0 : i32
    %ne3A_461 = arith.cmpi ne, %rem3A_459, %ne3A_460 : i32
    %and3A_462 = arith.andi %ne3A_458, %ne3A_461 : i1
    %sub3A_463 = arith.constant 1 : i32
    %sub3A_464 = arith.subi %div3A_443, %sub3A_463 : i32
    %select_n3A_465 = arith.select %and3A_462, %sub3A_464, %div3A_443 : i32
    %jit3A_466 = arith.constant 8 : i32
    %eq3A_467 = arith.constant 0 : i32
    %eq3A_468 = arith.cmpi eq, %jit3A_466, %eq3A_467 : i32
    %jit3A_469 = arith.constant 1 : i32
    %select_n3A_470 = arith.select %eq3A_468, %jit3A_469, %jit3A_466 : i32
    %rem3A_471 = arith.remsi %add3A_441, %select_n3A_470 : i32
    %ne3A_472 = arith.constant 0 : i32
    %ne3A_473 = arith.cmpi ne, %rem3A_471, %ne3A_472 : i32
    %lt3A_474 = arith.constant 0 : i32
    %lt3A_475 = arith.cmpi slt, %rem3A_471, %lt3A_474 : i32
    %lt3A_476 = arith.constant 0 : i32
    %lt3A_477 = arith.cmpi slt, %select_n3A_470, %lt3A_476 : i32
    %ne3A_478 = arith.xori %lt3A_475, %lt3A_477 : i1
    %and3A_479 = arith.andi %ne3A_478, %ne3A_473 : i1
    %add3A_480 = arith.addi %rem3A_471, %select_n3A_470 : i32
    %select_n3A_481 = arith.select %and3A_479, %add3A_480, %rem3A_471 : i32
    %dma_start3A_482 = arith.constant 96 : i32
    %dma_start3A_483 = arith.constant 0 : i32
    %dma_start3A_484 = tpu.memref_slice %arg7[%dma_start3A_482, %dma_start3A_483] : memref<128x128xf32, #tpu.memory_space<vmem>> -> memref<32x128xf32, #tpu.memory_space<vmem>>
    %dma_start3A_485 = arith.constant 0 : i32
    %dma_start3A_486 = arith.constant 0 : i32
    %dma_start3A_487 = tpu.memref_slice %arg4[%select_n3A_465, %dma_start3A_485, %select_n3A_481, %dma_start3A_486] : memref<1250x32x8x128xf32, #tpu.memory_space<hbm>> -> memref<1x32x1x128xf32, #tpu.memory_space<hbm>>
    %dma_start3A_488 = tpu.memref_squeeze %dma_start3A_487 : memref<1x32x1x128xf32, #tpu.memory_space<hbm>> -> memref<32x128xf32, #tpu.memory_space<hbm>>
    %dma_start3A_489 = arith.constant 0 : i32
    %dma_start3A_490 = arith.constant 0 : i32
    %dma_start3A_491 = tpu.memref_slice %arg4[%select_n3A_465, %dma_start3A_489, %select_n3A_481, %dma_start3A_490] : memref<1250x32x8x128xf32, #tpu.memory_space<hbm>> -> memref<1x32x1x128xf32, #tpu.memory_space<hbm>>
    %dma_start3A_492 = tpu.memref_squeeze %dma_start3A_491 : memref<1x32x1x128xf32, #tpu.memory_space<hbm>> -> memref<32x128xf32, #tpu.memory_space<hbm>>
    %dma_start3A_493 = arith.constant 96 : i32
    %dma_start3A_494 = arith.constant 0 : i32
    %dma_start3A_495 = tpu.memref_slice %arg7[%dma_start3A_493, %dma_start3A_494] : memref<128x128xf32, #tpu.memory_space<vmem>> -> memref<32x128xf32, #tpu.memory_space<vmem>>
    tpu.enqueue_dma source(%dma_start3A_495 : memref<32x128xf32, #tpu.memory_space<vmem>>) target(%dma_start3A_492 : memref<32x128xf32, #tpu.memory_space<hbm>>) target_semaphore(%arg12 : memref<!tpu.dma_semaphore, #tpu.memory_space<semaphore_mem>>)
    %dma_wait3A_496 = arith.constant 0 : i32
    %dma_wait3A_497 = arith.constant 0 : i32
    %dma_wait3A_498 = tpu.memref_slice %arg2[%dma_wait3A_496, %dma_wait3A_497] : memref<10000x128xf32, #tpu.memory_space<hbm>> -> memref<128x128xf32, #tpu.memory_space<hbm>>
    %dma_wait3A_499 = arith.constant 0 : i32
    %dma_wait3A_500 = arith.constant 0 : i32
    %dma_wait3A_501 = tpu.memref_slice %arg2[%dma_wait3A_499, %dma_wait3A_500] : memref<10000x128xf32, #tpu.memory_space<hbm>> -> memref<128x128xf32, #tpu.memory_space<hbm>>
    tpu.wait_dma2 semaphore(%arg11 : memref<!tpu.dma_semaphore, #tpu.memory_space<semaphore_mem>>) src(%dma_wait3A_501 : memref<128x128xf32, #tpu.memory_space<hbm>>) dst(%arg6 : memref<128x128xf32, #tpu.memory_space<vmem>>)
    %dma_wait3A_502 = arith.constant 0 : i32
    %dma_wait3A_503 = arith.constant 0 : i32
    %dma_wait3A_504 = tpu.memref_slice %arg2[%dma_wait3A_502, %dma_wait3A_503] : memref<10000x128xf32, #tpu.memory_space<hbm>> -> memref<128x128xf32, #tpu.memory_space<hbm>>
    %dma_wait3A_505 = arith.constant 0 : i32
    %dma_wait3A_506 = arith.constant 0 : i32
    %dma_wait3A_507 = tpu.memref_slice %arg2[%dma_wait3A_505, %dma_wait3A_506] : memref<10000x128xf32, #tpu.memory_space<hbm>> -> memref<128x128xf32, #tpu.memory_space<hbm>>
    tpu.wait_dma2 semaphore(%arg12 : memref<!tpu.dma_semaphore, #tpu.memory_space<semaphore_mem>>) src(%dma_wait3A_507 : memref<128x128xf32, #tpu.memory_space<hbm>>) dst(%arg7 : memref<128x128xf32, #tpu.memory_space<vmem>>)
    %ge3A_508 = arith.constant 16 : i32
    %ge3A_509 = arith.cmpi sge, %add3A, %ge3A_508 : i32
    %convert_element_type3A_510 = arith.extui %ge3A_509 : i1 to i32
    %cond3A_511 = arith.constant 0 : i32
    %cond3A_512 = arith.cmpi ne, %convert_element_type3A_510, %cond3A_511 : i32
    scf.if %cond3A_512 {
      %dma_wait3A_513 = arith.constant 0 : i32
      %dma_wait3A_514 = arith.constant 0 : i32
      %dma_wait3A_515 = tpu.memref_slice %arg2[%dma_wait3A_513, %dma_wait3A_514] : memref<10000x128xf32, #tpu.memory_space<hbm>> -> memref<32x128xf32, #tpu.memory_space<hbm>>
      %dma_wait3A_516 = arith.constant 0 : i32
      %dma_wait3A_517 = arith.constant 0 : i32
      %dma_wait3A_518 = tpu.memref_slice %arg2[%dma_wait3A_516, %dma_wait3A_517] : memref<10000x128xf32, #tpu.memory_space<hbm>> -> memref<32x128xf32, #tpu.memory_space<hbm>>
      tpu.wait_dma2 semaphore(%arg13 : memref<!tpu.dma_semaphore, #tpu.memory_space<semaphore_mem>>) src(%dma_wait3A_518 : memref<32x128xf32, #tpu.memory_space<hbm>>) dst(%arg8 : memref<32x128xf32, #tpu.memory_space<vmem>>)
      %add3A_519 = arith.constant 312 : i32
      %add3A_520 = arith.addi %add3A_5, %add3A_519 : i32
      %jit3A_521 = arith.constant 8 : i32
      %div3A_522 = arith.divsi %add3A_520, %jit3A_521 : i32
      %sign3A_523 = arith.constant 0 : i32
      %sign3A_524 = arith.cmpi sgt, %add3A_520, %sign3A_523 : i32
      %sign3A_525 = arith.extui %sign3A_524 : i1 to i32
      %sign3A_526 = arith.constant 0 : i32
      %sign3A_527 = arith.cmpi slt, %add3A_520, %sign3A_526 : i32
      %sign3A_528 = arith.extui %sign3A_527 : i1 to i32
      %sign3A_529 = arith.subi %sign3A_525, %sign3A_528 : i32
      %sign3A_530 = arith.constant 0 : i32
      %sign3A_531 = arith.cmpi sgt, %jit3A_521, %sign3A_530 : i32
      %sign3A_532 = arith.extui %sign3A_531 : i1 to i32
      %sign3A_533 = arith.constant 0 : i32
      %sign3A_534 = arith.cmpi slt, %jit3A_521, %sign3A_533 : i32
      %sign3A_535 = arith.extui %sign3A_534 : i1 to i32
      %sign3A_536 = arith.subi %sign3A_532, %sign3A_535 : i32
      %ne3A_537 = arith.cmpi ne, %sign3A_529, %sign3A_536 : i32
      %rem3A_538 = arith.remsi %add3A_520, %jit3A_521 : i32
      %ne3A_539 = arith.constant 0 : i32
      %ne3A_540 = arith.cmpi ne, %rem3A_538, %ne3A_539 : i32
      %and3A_541 = arith.andi %ne3A_537, %ne3A_540 : i1
      %sub3A_542 = arith.constant 1 : i32
      %sub3A_543 = arith.subi %div3A_522, %sub3A_542 : i32
      %select_n3A_544 = arith.select %and3A_541, %sub3A_543, %div3A_522 : i32
      %jit3A_545 = arith.constant 8 : i32
      %eq3A_546 = arith.constant 0 : i32
      %eq3A_547 = arith.cmpi eq, %jit3A_545, %eq3A_546 : i32
      %jit3A_548 = arith.constant 1 : i32
      %select_n3A_549 = arith.select %eq3A_547, %jit3A_548, %jit3A_545 : i32
      %rem3A_550 = arith.remsi %add3A_520, %select_n3A_549 : i32
      %ne3A_551 = arith.constant 0 : i32
      %ne3A_552 = arith.cmpi ne, %rem3A_550, %ne3A_551 : i32
      %lt3A_553 = arith.constant 0 : i32
      %lt3A_554 = arith.cmpi slt, %rem3A_550, %lt3A_553 : i32
      %lt3A_555 = arith.constant 0 : i32
      %lt3A_556 = arith.cmpi slt, %select_n3A_549, %lt3A_555 : i32
      %ne3A_557 = arith.xori %lt3A_554, %lt3A_556 : i1
      %and3A_558 = arith.andi %ne3A_557, %ne3A_552 : i1
      %add3A_559 = arith.addi %rem3A_550, %select_n3A_549 : i32
      %select_n3A_560 = arith.select %and3A_558, %add3A_559, %rem3A_550 : i32
      "tpu.region"() ({
        %run_scoped3A = tpu.sem_alloc : memref<!tpu.dma_semaphore, #tpu.memory_space<semaphore_mem>>
        %dma_start3A_561 = arith.constant 0 : i32
        %dma_start3A_562 = arith.constant 0 : i32
        %dma_start3A_563 = tpu.memref_slice %arg4[%select_n3A_544, %dma_start3A_561, %select_n3A_560, %dma_start3A_562] : memref<1250x32x8x128xf32, #tpu.memory_space<hbm>> -> memref<1x32x1x128xf32, #tpu.memory_space<hbm>>
        %dma_start3A_564 = tpu.memref_squeeze %dma_start3A_563 : memref<1x32x1x128xf32, #tpu.memory_space<hbm>> -> memref<32x128xf32, #tpu.memory_space<hbm>>
        %dma_start3A_565 = arith.constant 0 : i32
        %dma_start3A_566 = arith.constant 0 : i32
        %dma_start3A_567 = tpu.memref_slice %arg4[%select_n3A_544, %dma_start3A_565, %select_n3A_560, %dma_start3A_566] : memref<1250x32x8x128xf32, #tpu.memory_space<hbm>> -> memref<1x32x1x128xf32, #tpu.memory_space<hbm>>
        %dma_start3A_568 = tpu.memref_squeeze %dma_start3A_567 : memref<1x32x1x128xf32, #tpu.memory_space<hbm>> -> memref<32x128xf32, #tpu.memory_space<hbm>>
        tpu.enqueue_dma source(%arg8 : memref<32x128xf32, #tpu.memory_space<vmem>>) target(%dma_start3A_568 : memref<32x128xf32, #tpu.memory_space<hbm>>) target_semaphore(%run_scoped3A : memref<!tpu.dma_semaphore, #tpu.memory_space<semaphore_mem>>)
        %dma_wait3A_569 = arith.constant 0 : i32
        %dma_wait3A_570 = arith.constant 0 : i32
        %dma_wait3A_571 = tpu.memref_slice %arg4[%select_n3A_544, %dma_wait3A_569, %select_n3A_560, %dma_wait3A_570] : memref<1250x32x8x128xf32, #tpu.memory_space<hbm>> -> memref<1x32x1x128xf32, #tpu.memory_space<hbm>>
        %dma_wait3A_572 = tpu.memref_squeeze %dma_wait3A_571 : memref<1x32x1x128xf32, #tpu.memory_space<hbm>> -> memref<32x128xf32, #tpu.memory_space<hbm>>
        %dma_wait3A_573 = arith.constant 0 : i32
        %dma_wait3A_574 = arith.constant 0 : i32
        %dma_wait3A_575 = tpu.memref_slice %arg4[%select_n3A_544, %dma_wait3A_573, %select_n3A_560, %dma_wait3A_574] : memref<1250x32x8x128xf32, #tpu.memory_space<hbm>> -> memref<1x32x1x128xf32, #tpu.memory_space<hbm>>
        %dma_wait3A_576 = tpu.memref_squeeze %dma_wait3A_575 : memref<1x32x1x128xf32, #tpu.memory_space<hbm>> -> memref<32x128xf32, #tpu.memory_space<hbm>>
        tpu.wait_dma2 semaphore(%run_scoped3A : memref<!tpu.dma_semaphore, #tpu.memory_space<semaphore_mem>>) src(%arg8 : memref<32x128xf32, #tpu.memory_space<vmem>>) dst(%dma_wait3A_576 : memref<32x128xf32, #tpu.memory_space<hbm>>)
        tpu.yield
      }) : () -> ()
    } else {
    }
    return
  }
}

</mosaic_0001>

<sc_bundles>
// kernel: kernel.3.cloned.1.call-start
scs
__scs_entry_jumppad:
0x0: {  	(pc) =	sbr.rel $0x88, $3  }
0x1: {  	(tag) =	ssettag $0x0;
	lr =	simm.s32 $0x1  }
0x2: {  	[smem:$0x3F9F] =	sst lr;
	_ =	strace $0xD0000000  }
0x3: {  	_ = 	snop  }
0x4: {  	_ = 	snop  }
0x5: {  	_ = 	snop  }
0x6: {  	_ = 	snop  }
0x7: {  	_ = 	snop  }
__scs_overlays_trampoline_lowered:
0x8: {  	[smem:$0x3FAE] =	sst s0  }
0x9: {  	[smem:$0x3FAF] =	sst s1  }
0xa: {  	[smem:$0x3FB0] =	sst s2  }
0xb: {  	[smem:$0x3FB1] =	sst s3  }
0xc: {  	[smem:$0x3FB2] =	sst s4  }
0xd: {  	[smem:$0x3FB3] =	sst s5  }
0xe: {  	[smem:$0x3FB4] =	sst s6  }
0xf: {  	[smem:$0x3FB5] =	sst s7  }
0x10: {  	[smem:$0x3FB6] =	sst s8  }
0x11: {  	[smem:$0x3FB7] =	sst s9;
	s0 =	simm.s32 @!p0 $0x0  }
0x12: {  	s1 =	sld [smem:$0x3F9D];
	s0 =	simm.s32 @p0 $0x1  }
0x13: {  	[smem:$0x3FB8] =	sst s0;
	s0 =	simm.s32 @!p1 $0x0  }
0x14: {  	s2 =	sld [smem:$0x3F9C];
	s0 =	simm.s32 @p1 $0x1  }
0x15: {  	[smem:$0x3FB9] =	sst s0;
	s0 =	simm.s32 @!p2 $0x0  }
0x16: {  	s3 =	sld [smem:$0x3FDB];
	s0 =	simm.s32 @p2 $0x1  }
0x17: {  	s4 =	simm.s32 $0x1BF5;
	[smem:$0x3FBB] =	sst s0  }
0x18: {  	s0 =	sld [smem:$0x3F9E];
	_ =	swait.ge [sflag:s4], $0x0  }
0x19: {  	s7 =	sld [smem:$0x3F9F]  }
0x1a: {  	s8 =	sadd.s32 $0xFFFFE003, lr  }
0x1b: {  	s9 =	sadd.s32 $0xFFFFFEF7, lr;
	s5 =	simm.s32 $0xFFFFFFFF;
	p2 =	slt.u32 s8, $0xFFFFF086  }
0x1c: {  	p1 =	slt.u32 s9, $0xF7A;
	s5 =	simm.s32 @!p2 $0x0  }
0x1d: {  	s5 =	simm.s32 @p1 $0x1;
	p0 =	seq.s32 s7, s2  }
0x1e: {  	s7 =	smul.u32 @!p0 $0xF7A, s2;
	p2 =	seq.s32 @!p0 s5, $0x0  }
0x1f: {  	s9 =	smul.u32 $0xF7A, s1;
	s8 =	simm.s32 @!p0 $0x1BF5;
	p2 =	por !p2, p0  }
0x20: {  	[sflag:s8] =	ssyncset.s32 @!p0 $0xFFFFF086;
	s6 =	sadd.s32 @!p0 s3, s7;
	s7 =	simm.s32 @!p0 $0x108  }
0x21: {  	s3 =	sadd.s32 s3, s9;
	s6 =	sadd.s32 @!p0 $0x88, s6;
	s7 =	simm.s32 @p2 $0x1082  }
0x22: {  	[simem:s7], [sflag:s8] =	dma.local @!p0 [hbm:s6], $0xF7A  }
0x23: {  	s9 =	sor.u32 $0xD0000000, s2;
	s6 =	simm.s32 $0x108;
	_ =	swait.ge @!p0 [sflag:s8], $0x0  }
0x24: {  	s3 =	sadd.s32 $0x88, s3;
	s6 =	simm.s32 @!p1 $0x1082;
	[sflag:s4] =	ssyncset.s32 $0xFFFFF086  }
0x25: {  	[simem:s6], [sflag:s4] =	dma.local [hbm:s3], $0xF7A  }
0x26: {  	[smem:$0x3F9F] =	sst s1;
	(tag) =	ssettag s2;
	_ =	strace s9  }
0x27: {  	s1 =	sld [smem:$0x3FAF]  }
0x28: {  	s2 =	sld [smem:$0x3FB0]  }
0x29: {  	s4 =	sld [smem:$0x3FB2]  }
0x2a: {  	p0 =	seq.s32 s5, $0x0;
	s5 =	sld [smem:$0x3FB3]  }
0x2b: {  	s6 =	sld [smem:$0x3FB4]  }
0x2c: {  	s7 =	sld [smem:$0x3FB5]  }
0x2d: {  	s3 =	simm.s32 $0x108;
	s8 =	sld [smem:$0x3FB6]  }
0x2e: {  	s3 =	simm.s32 @!p0 $0x1082;
	s9 =	sld [smem:$0x3FB7]  }
0x2f: {  	lr =	sadd.s32 s0, s3;
	s0 =	sld [smem:$0x3FAE]  }
0x30: {  	s3 =	sld [smem:$0x3FB1]  }
0x31: {  	[smem:$0x3FBA] =	sst s10  }
0x32: {  	s10 =	sld [smem:$0x3FB8];
	_ =	sdelay $0x3  }
0x33: {  	p0 =	seq.s32 s10, $0x1;
	s10 =	sld [smem:$0x3FBA];
	_ =	sdelay $0x3  }
0x34: {  	[smem:$0x3FBA] =	sst s10  }
0x35: {  	s10 =	sld [smem:$0x3FB9];
	_ =	sdelay $0x3  }
0x36: {  	p1 =	seq.s32 s10, $0x1;
	s10 =	sld [smem:$0x3FBA];
	_ =	sdelay $0x3  }
0x37: {  	[smem:$0x3FBA] =	sst s10  }
0x38: {  	s10 =	sld [smem:$0x3FBB]  }
0x39: {  	_ = 	snop;
	(pc) =	sbr.ind lr, $3  }
0x3a: {  	_ = 	snop  }
0x3b: {  	_ = 	snop  }
0x3c: {  	p2 =	seq.s32 s10, $0x1;
	s10 =	sld [smem:$0x3FBA]  }
0x3d: {  	_ =	shalt  }
0x3e: {  	_ =	shalt  }
0x3f: {  	_ =	shalt  }
0x40: {  	_ =	shalt  }
0x41: {  	_ =	shalt  }
0x42: {  	_ =	shalt  }
0x43: {  	_ =	shalt  }
0x44: {  	_ =	shalt  }
0x45: {  	_ =	shalt  }
0x46: {  	_ =	shalt  }
0x47: {  	_ =	shalt  }
0x48: {  	_ =	shalt  }
0x49: {  	_ =	shalt  }
0x4a: {  	_ =	shalt  }
0x4b: {  	_ =	shalt  }
0x4c: {  	_ =	shalt  }
0x4d: {  	_ =	shalt  }
0x4e: {  	_ =	shalt  }
0x4f: {  	_ =	shalt  }
0x50: {  	_ =	shalt  }
0x51: {  	_ =	shalt  }
0x52: {  	_ =	shalt  }
0x53: {  	_ =	shalt  }
0x54: {  	_ =	shalt  }
0x55: {  	_ =	shalt  }
0x56: {  	_ =	shalt  }
0x57: {  	_ =	shalt  }
0x58: {  	_ =	shalt  }
0x59: {  	_ =	shalt  }
0x5a: {  	_ =	shalt  }
0x5b: {  	_ =	shalt  }
0x5c: {  	_ =	shalt  }
0x5d: {  	_ =	shalt  }
0x5e: {  	_ =	shalt  }
0x5f: {  	_ =	shalt  }
0x60: {  	_ =	shalt  }
0x61: {  	_ =	shalt  }
0x62: {  	_ =	shalt  }
0x63: {  	_ =	shalt  }
0x64: {  	_ =	shalt  }
0x65: {  	_ =	shalt  }
0x66: {  	_ =	shalt  }
0x67: {  	_ =	shalt  }
0x68: {  	_ =	shalt  }
0x69: {  	_ =	shalt  }
0x6a: {  	_ =	shalt  }
0x6b: {  	_ =	shalt  }
0x6c: {  	_ =	shalt  }
0x6d: {  	_ =	shalt  }
0x6e: {  	_ =	shalt  }
0x6f: {  	_ =	shalt  }
0x70: {  	_ =	shalt  }
0x71: {  	_ =	shalt  }
0x72: {  	_ =	shalt  }
0x73: {  	_ =	shalt  }
0x74: {  	_ =	shalt  }
0x75: {  	_ =	shalt  }
0x76: {  	_ =	shalt  }
0x77: {  	_ =	shalt  }
0x78: {  	_ =	shalt  }
0x79: {  	_ =	shalt  }
0x7a: {  	_ =	shalt  }
0x7b: {  	_ =	shalt  }
0x7c: {  	_ =	shalt  }
0x7d: {  	_ =	shalt  }
0x7e: {  	_ =	shalt  }
0x7f: {  	_ =	shalt  }
0x80: {  	_ =	shalt  }
0x81: {  	_ =	shalt  }
0x82: {  	_ =	shalt  }
0x83: {  	_ =	shalt  }
0x84: {  	_ =	shalt  }
0x85: {  	_ =	shalt  }
0x86: {  	_ =	shalt  }
0x87: {  	_ =	shalt  }
.Lfunc_end0:
.L_simem_size_0:
called_computation_lowered:
.L_overlay_start_0:
0x88: {  	s2 =	sld [smem:$0x3FD9]  }
0x89: {  	s3 =	sld [smem:$0x3FFE];
	_ =	sdelay $0x1  }
0x8a: {  	s1 =	srdreg.scid  }
0x8b: {  	s0 =	sand.u32 $0x1, s1  }
0x8c: {  	s17 =	sshll.u32 s0, $0xA;
	s2 =	sadd.s32 s3, s2  }
0x8d: {  	s2 =	sadd.s32 s2, s17  }
0x8e: {  	[smem:$0x3FC6] =	sst s2  }
0x8f: {  	_ = 	snop  }
0x90: {  	s2 =	sld [smem:$0x3FC9]  }
0x91: {  	s18 =	sld [smem:$0x3FD0];
	(tm) =	ssettm $0x1  }
0x92: {  	s4 =	sld [smem:$0x3FFB];
	_ =	sdelay $0x3  }
0x93: {  	_ =	strace s4  }
0x94: {  	s4 =	sld [smem:$0x3FFC];
	_ =	sdelay $0x3  }
0x95: {  	_ =	strace s4  }
0x96: {  	s4 =	sld [smem:$0x3FFD];
	_ =	sdelay $0x3  }
0x97: {  	_ =	strace s4  }
0x98: {  	_ =	strace $0x8FFFFFFF  }
0x99: {  	s19 =	sld [smem:$0x3FDB];
	_ =	sdelay $0x1  }
0x9a: {  	s5 =	simm.s32 $_scs_section_size  }
0x9b: {  	s6 =	simm.s32 $_size__tile_overlayer_lowered;
	s7 =	simm.s32 $_tile_overlayer_lowered  }
0x9c: {  	s22 =	simm.s32 $0x1BFF;
	s21 =	sshll.u32 s7, $0x1;
	s4 =	sadd.s32 s5, s19  }
0x9d: {  	s8 =	simm.s32 $0x0;
	s20 =	sshll.u32 s6, $0x1;
	s6 =	sadd.s32 s21, s4  }
0x9e: {  	[timem:s8], [sflag:s22] =	dma.local [hbm:s6], s20  }
0x9f: {  	_ =	swait.ge [sflag:s22], s20  }
0xa0: {  	s5 =	ssub.s32 $0x0, s20;
	[sflag:s22] =	ssyncset.done $0x0  }
0xa1: {  	[sflag:s22] =	ssyncadd.s32 s5;
	_ =	sdelay $0x1  }
0xa2: {  	s23 =	simm.s32 $0x1B8B  }
0xa3: {  	_ =	swait.ge [sflag:s23], $0x1  }
0xa4: {  	[sflag:s23] =	ssyncset.done $0x0  }
0xa5: {  	s25 =	simm.s32 $0x1B8E;
	s24 =	sld [smem:$0x3FFE];
	[sflag:s23] =	ssyncadd.s32 $0xFFFFFFFF  }
0xa6: {  	s26 =	simm.s32 $execute0_lowered;
	[smem:$0x3FD2] =	sst s25  }
0xa7: {  	s6 =	sshll.u32 s26, $0x1;
	_ =	strace $0x80000046;
	[dreg:$0x1] =	wrdreg $0xFFFFFFFF  }
0xa8: {  	s28 =	simm.s32 $_size_execute0_lowered;
	s4 =	sadd.s32 s4, s6;
	[dreg:$0x0] =	wrdreg $0x0  }
0xa9: {  	s6 =	sshll.u32 s28, $0x1;
	[dreg:$0x2] =	wrdreg s4  }
0xaa: {  	[dreg:$0x3] =	wrdreg s6  }
0xab: {  	[dreg:$0x4] =	wrdreg $0xC0  }
0xac: {  	_ =	task [dreg:s8], $0x5FFFF  }
0xad: {  	[dreg:$0x1] =	wrdreg $0xFFFFFFFF  }
0xae: {  	[dreg:$0x0] =	wrdreg $0x60  }
0xaf: {  	[dreg:$0x2] =	wrdreg s2  }
0xb0: {  	[dreg:$0x3] =	wrdreg s24  }
0xb1: {  	[dreg:$0x4] =	wrdreg s18  }
0xb2: {  	[dreg:$0x5] =	wrdreg $0xB7800  }
0xb3: {  	[dreg:$0x6] =	wrdreg $0x9  }
0xb4: {  	_ =	task.clear_ibuf [dreg:s8], $0x7FFFF;
	_ =	strace $0x90000046  }
0xb5: {  	s29 =	simm.s32 $0x9;
	_ =	strace $0x80000048  }
0xb6: {  	_ =	swait.ge [sflag:s29], $0x1  }
0xb7: {  	[sflag:s29] =	ssyncadd.s32 $0xFFFFFFFF  }
0xb8: {  	_ =	strace $0x90000048  }
0xb9: {  	_ =	sfence  }
0xba: {  	s30 =	sld [smem:$0x0];
	_ =	sdelay $0x2  }
0xbb: {  	s31 =	sshll.u32 s1, $0xD;
	s1 =	sshrl.u32 s1, $0x2  }
0xbc: {  	s3 =	sand.u32 $0x4000, s31;
	s1 =	sadd.s32 s1, s30  }
0xbd: {  	s0 =	sor.u32 s3, s0;
	s1 =	sshll.u32 s1, $0x11  }
0xbe: {  	s0 =	sor.u32 s1, s0  }
0xbf: {  	s0 =	sadd.s32 $0x8F2B, s0  }
0xc0: {  	[sflag:s0] =	ssyncadd.remote.s32 $0x1  }
0xc1: {  	_ =	sfence.sel $0xFFFF  }
0xc2: {  	[dreg:$0x0] =	wrdreg $0xFFFFFFFF;
	(pc) =	sbr.abs _section_cstart, $3  }
0xc3: {  	[dreg:$0x1] =	wrdreg $0xFFFFFFFF  }
0xc4: {  	_ =	task.clear_ibuf [dreg:s8], $0x2FFFF;
	_ =	strace $0x9FFFFFFF  }
0xc5: {  	(tm) =	ssettm $0x7FFFFFFF  }
tec
execute0_lowered:
.L_overlay_start_1:
0x0: {  	(tag) =	ssettag $0x1  }
0x1: {  	s4 =	rddreg [dreg:$0x1]  }
0x2: {  	s1 =	srdreg.scid;
	s15 =	rddreg [dreg:$0x2]  }
0x3: {  	s0 =	stileid.u32;
	s3 =	rddreg [dreg:$0x3];
	s6 =	simm.s32 $0x0  }
0x4: {  	s28 =	simm.s32 $0x6780;
	s29 =	simm.s32 $0x2;
	s30 =	simm.s32 $0x7780  }
0x5: {  	s31 =	simm.s32 $0x8780;
	s5 =	sand.u32 $0x1, s1;
	s19 =	sshll.u32 s0, $0x1  }
0x6: {  	[smem:$0x7FF] =	sst s6;
	s6 =	simm.s32 $0x1;
	s1 =	sor.u32 s5, s19  }
0x7: {  	_ =	strace $0x80000047;
	s2 =	smul.u32 $0x138, s1;
	s1 =	smax.u32 s1, $0x10  }
0x8: {  	s21 =	ssub.s32 $0x2, s5;
	s5 =	smul.u32 $0x138, s5;
	s20 =	sand.u32 $0x7, s1  }
0x9: {  	s22 =	sshrl.u32 s21, $0x1;
	s8 =	sadd.s32 s2, s1;
	p1 =	sne.s32 s20, $0x0  }
0xa: {  	s2 =	sshll.u32 s20, $0x7;
	s7 =	sadd.s32 $0xFFFFFFF0, s8;
	s24 =	sadd.s32 $0xFFFFFFF1, s8  }
0xb: {  	s11 =	sadd.s32 $0xFFFFFFF2, s8;
	s14 =	sadd.s32 $0xFFFFFFF3, s8;
	s20 =	sadd.s32 $0x124, s8  }
0xc: {  	p0 =	seq.s32 s7, $0x0;
	s9 =	sshll.u32 s7, $0x2;
	s10 =	sshrl.u32 s7, $0x3  }
0xd: {  	s25 =	sshll.u32 s24, $0xC;
	s12 =	sshll.u32 s11, $0xC;
	s11 =	sshll.u32 s11, $0x7  }
0xe: {  	s13 =	sshll.u32 s14, $0xC;
	s7 =	sshll.u32 s7, $0x9;
	p0 =	por !p1, !p0  }
0xf: {  	s9 =	sand.u32 $0x1FFFFFFC, s9;
	s26 =	sand.u32 $0x7FFF8000, s12;
	s12 =	sshll.u32 s14, $0x7  }
0x10: {  	s11 =	sand.u32 $0x380, s11;
	s13 =	sand.u32 $0x7FFF8000, s13;
	s7 =	sand.u32 $0xFFFF000, s7  }
0x11: {  	p1 =	slt.u32 s0, $0x8;
	p0 =	por !p0, !p0;
	s9 =	sadd.s32 s9, s4  }
0x12: {  	s4 =	ssub.s32 s21, s22;
	s12 =	sand.u32 $0x380, s12;
	s21 =	sshll.u32 s20, $0xC  }
0x13: {  	s22 =	sadd.s32 $0x125, s8;
	s6 =	simm.s32 @!p0 $0x0;
	s9 =	sadd.s32 $0x400, s9  }
0x14: {  	s16 =	sor.u32 s12, s13;
	s4 =	smax.u32 s4, $0x1;
	p0 =	sne.s32 s0, $0x0  }
0x15: {  	s6 =	ssub.s32 s10, s6;
	[dreg:$0xb] =	wrdreg s9;
	s10 =	sand.u32 $0x7FFF8000, s25  }
0x16: {  	s18 =	sshrl.u32 s16, $0x3;
	s25 =	sadd.s32 $0x126, s8;
	s8 =	sadd.s32 $0x127, s8  }
0x17: {  	[dreg:$0x16] =	wrdreg s4;
	s6 =	sshll.u32 s6, $0xF;
	s19 =	sadd.s32 s15, s18  }
0x18: {  	s12 =	sshll.u32 s25, $0x7;
	s18 =	sshll.u32 s8, $0xC;
	s8 =	sshll.u32 s8, $0x7  }
0x19: {  	s6 =	sor.u32 s2, s6;
	[dreg:$0xf] =	wrdreg s19;
	s12 =	sand.u32 $0x380, s12  }
0x1a: {  	s19 =	smul.u32 $0x270, s0;
	s8 =	sand.u32 $0x380, s8;
	s23 =	sshrl.u32 s6, $0x3  }
0x1b: {  	s0 =	simm.s32 $0x3;
	s6 =	simm.s32 $0x1;
	s9 =	sadd.s32 s15, s23  }
0x1c: {  	s23 =	sshll.u32 s22, $0xC;
	[dreg:$0xc] =	wrdreg s9;
	s9 =	sshll.u32 s24, $0x7  }
0x1d: {  	s24 =	sand.u32 $0x7FFF8000, s23;
	s23 =	sadd.s32 $0x4, s1;
	s9 =	sand.u32 $0x380, s9  }
0x1e: {  	s9 =	sor.u32 s9, s10;
	s10 =	sor.u32 s11, s26;
	s11 =	sshll.u32 s22, $0x7  }
0x1f: {  	s26 =	sshll.u32 s25, $0xC;
	s9 =	sshrl.u32 s9, $0x3;
	s17 =	sshrl.u32 s10, $0x3  }
0x20: {  	s10 =	sand.u32 $0x7FFF8000, s21;
	s11 =	sand.u32 $0x380, s11;
	s13 =	sand.u32 $0x7FFF8000, s26  }
0x21: {  	s21 =	sshll.u32 s1, $0x4;
	s26 =	sadd.s32 $0xFFFFFFFF, s1;
	s9 =	sadd.s32 s15, s9  }
0x22: {  	s13 =	sor.u32 s12, s13;
	[dreg:$0xd] =	wrdreg s9;
	s9 =	sadd.s32 s15, s17  }
0x23: {  	s12 =	sadd.s32 $0x6, s1;
	s16 =	sshrl.u32 s13, $0x3;
	[dreg:$0xe] =	wrdreg s9  }
0x24: {  	s9 =	sshll.u32 s20, $0x7;
	s17 =	sadd.s32 s15, s16;
	s20 =	sadd.s32 s19, s1  }
0x25: {  	s9 =	sand.u32 $0x380, s9;
	[dreg:$0x12] =	wrdreg s17;
	s5 =	sadd.s32 s5, s20  }
0x26: {  	s20 =	sadd.s32 $0x3, s1;
	s1 =	sadd.s32 $0x2, s1;
	s9 =	sor.u32 s9, s10  }
0x27: {  	s10 =	sor.u32 s11, s24;
	s22 =	sadd.s32 $0xFFFFFFF4, s5;
	s25 =	sshll.u32 s5, $0xC  }
0x28: {  	s1 =	sand.u32 $0x7, s1;
	s9 =	sshrl.u32 s9, $0x3;
	s14 =	sshrl.u32 s10, $0x3  }
0x29: {  	[dreg:$0x13] =	wrdreg s22;
	s11 =	sshll.u32 s22, $0xC;
	s10 =	sand.u32 $0x7, s23  }
0x2a: {  	s13 =	sadd.s32 $0xFFFF6000, s25;
	s17 =	sadd.s32 $0xFFFF8000, s25;
	s19 =	sadd.s32 $0xFFFFB000, s25  }
0x2b: {  	s1 =	sshll.u32 s1, $0x7;
	s9 =	sadd.s32 s15, s9;
	s11 =	sand.u32 $0xFFFF8000, s11  }
0x2c: {  	s10 =	sshll.u32 s10, $0x7;
	s4 =	sand.u32 $0xFFFF8000, s19;
	[dreg:$0x10] =	wrdreg s9  }
0x2d: {  	s9 =	sadd.s32 s15, s14;
	s24 =	sor.u32 s10, s11;
	s11 =	sadd.s32 $0xFFFF7000, s25  }
0x2e: {  	s10 =	sand.u32 $0x7, s26;
	s14 =	sand.u32 $0xFFFF8000, s13;
	s26 =	sadd.s32 $0xFFFFFFF9, s5  }
0x2f: {  	[dreg:$0x11] =	wrdreg s9;
	s9 =	sand.u32 $0x7FFF8000, s18;
	s10 =	sshll.u32 s10, $0x7  }
0x30: {  	s18 =	sand.u32 $0xFFFF8000, s17;
	s8 =	sor.u32 s8, s9;
	s9 =	sand.u32 $0x70, s21  }
0x31: {  	s2 =	sor.u32 s2, s18;
	s21 =	sadd.s32 $0xFFFFA000, s25;
	s8 =	sshrl.u32 s8, $0x3  }
0x32: {  	s9 =	sadd.s32 s9, s15;
	s2 =	sshrl.u32 s2, $0x3;
	s22 =	sand.u32 $0xFFFF8000, s21  }
0x33: {  	s21 =	simm.s32 $0x80;
	s8 =	sadd.s32 s15, s8;
	s7 =	sadd.s32 s7, s9  }
0x34: {  	[dreg:$0x8] =	wrdreg s2;
	s1 =	sor.u32 s1, s22;
	s22 =	simm.s32 $0x2780  }
0x35: {  	s2 =	simm.s32 $0x9780;
	[dreg:$0x14] =	wrdreg s8;
	s8 =	sshrl.u32 s24, $0x3  }
0x36: {  	s7 =	sadd.s32 $0x27000, s7;
	s24 =	sadd.s32 $0xFFFFFFF5, s5;
	s1 =	sshrl.u32 s1, $0x3  }
0x37: {  	[dreg:$0x5] =	wrdreg s8;
	s8 =	sand.u32 $0xFFFF8000, s11;
	s11 =	sand.u32 $0x7, s12  }
0x38: {  	[dreg:$0x15] =	wrdreg s7;
	s25 =	sshrl.u32 s24, $0x3;
	s16 =	sshll.u32 s11, $0x7  }
0x39: {  	[dreg:$0xa] =	wrdreg s1;
	s1 =	sshrl.u32 s26, $0x3;
	s7 =	sor.u32 s16, s14  }
0x3a: {  	s24 =	simm.s32 $0x3780;
	[dreg:$0x17] =	wrdreg s25;
	s7 =	sshrl.u32 s7, $0x3  }
0x3b: {  	s26 =	simm.s32 $0x5780;
	[dreg:$0x7] =	wrdreg s7;
	s7 =	sand.u32 $0x7, s20  }
0x3c: {  	s8 =	sor.u32 s10, s8;
	[dreg:$0x18] =	wrdreg s1;
	s7 =	sshll.u32 s7, $0x7  }
0x3d: {  	s25 =	simm.s32 $0x4780;
	s8 =	sshrl.u32 s8, $0x3;
	s4 =	sor.u32 s7, s4  }
0x3e: {  	[dreg:$0x6] =	wrdreg s8;
	s7 =	simm.s32 $0x0;
	s23 =	sshrl.u32 s4, $0x3  }
0x3f: {  	s4 =	simm.s32 $0x4;
	[dreg:$0x9] =	wrdreg s23;
	s23 =	simm.s32 $0x400  }
.LBB2_1:
0x40: {  	[dreg:$0x19] =	wrdreg s7  }
0x41: {  	s1 =	sshrl.u32 @!p0 s3, $0x3;
	s7 =	simm.s32 @!p0 $0x1C06;
	s5 =	rddreg [dreg:$0x0]  }
0x42: {  	[spmem:s1], [sflag:s7] =	dma.local @!p0 [hbm:s5], $0x27100  }
0x43: {  	s1 =	simm.s32 @!p0 $0x6  }
0x44: {  	_ =	swait.ge @!p0 [sflag:s1], $0x27100  }
0x45: {  	s9 =	simm.s32 $0x7;
	[sflag:s1] =	ssyncset.done @!p0 $0x0  }
0x46: {  	s7 =	simm.s32 $0x0;
	s8 =	rddreg [dreg:$0xb];
	[sflag:s1] =	ssyncadd.s32 @!p0 $0xFFFD8F00  }
0x47: {  	[tilespmem:s7], [sflag:$0x7] =	stream.linear.gather [hbm4b:s8+s7], $0x2720, $0x38;
	[tilespmem:$0x1F000] =	vst v63  }
0x48: {  	_ =	swait.ge [sflag:s9], $0x2720  }
0x49: {  	[sflag:s9] =	ssyncset.done $0x0  }
0x4a: {  	[sflag:s9] =	ssyncadd.s32 $0xFFFFD8E0  }
0x4b: {  	[bflag:$0x0] =	sbarrier.arrive $0xFFFF  }
0x4c: {  	[tilespmem:s22], [sflag:$0x1] =	stream.indirect.gather [spmem:s3], $0x80, s7, s21, $0xb8;
	[tilespmem:$0x1F000] =	vst v63  }
0x4d: {  	s1 =	simm.s32 @!p1 $0x20;
	s8 =	simm.s32 @!p1 $0xA780;
	s7 =	simm.s32 @!p1 $0x2700  }
0x4e: {  	[tilespmem:s8], [sflag:$0x5] =	stream.indirect.gather @!p1 [spmem:s3], $0x80, s7, s1, $0xb8;
	[tilespmem:$0x1F000] =	vst v63  }
0x4f: {  	_ =	swait.ge [sflag:s6], $0x4000  }
0x50: {  	s10 =	rddreg [dreg:$0xc]  }
0x51: {  	s11 =	rddreg [dreg:$0xd]  }
0x52: {  	s16 =	simm.s32 $0x100;
	s7 =	simm.s32 $0x1;
	s12 =	rddreg [dreg:$0xe]  }
0x53: {  	s8 =	simm.s32 $0x400;
	[sflag:s6] =	ssyncset.done $0x0;
	s14 =	rddreg [dreg:$0x13]  }
0x54: {  	s13 =	rddreg [dreg:$0xf];
	[sflag:s6] =	ssyncadd.s32 $0xFFFFC000;
	s18 =	sadd.s32 $0x1, s14  }
0x55: {  	[hbm4b:s10+s21] =	stream.strided.scatter [tilespmem:s22], [sflag:$0x3], $0x1000, s23, s21, $0x38;
	[tilespmem:$0x1F000] =	vst v63  }
0x56: {  	s9 =	rddreg [dreg:$0x17];
	p2 =	slt.s32 s14, $0xFFFFFFFF;
	s1 =	sand.u32 $0x7, s18  }
0x57: {  	s20 =	sadd.s32 $0x4, s14;
	s10 =	sadd.s32 $0x5, s14;
	p3 =	sne.s32 s1, $0x0  }
0x58: {  	[hbm4b:s11+s21] =	stream.strided.scatter [tilespmem:s24], [sflag:$0x3], $0x1000, s23, s21, $0x38;
	[tilespmem:$0x1F000] =	vst v63  }
0x59: {  	p6 =	slt.s32 s20, $0xFFFFFFFF;
	s10 =	sand.u32 $0x7, s10;
	p2 =	por !p3, !p2  }
0x5a: {  	s1 =	sshll.u32 s1, $0x7;
	p4 =	sne.s32 s10, $0x0;
	p2 =	por !p2, !p2  }
0x5b: {  	[hbm4b:s12+s21] =	stream.strided.scatter [tilespmem:s25], [sflag:$0x3], $0x1000, s23, s21, $0x38;
	[tilespmem:$0x1F000] =	vst v63  }
0x5c: {  	s11 =	sadd.s32 $0x1, s9;
	p4 =	por !p4, !p6;
	s7 =	simm.s32 @!p2 $0x0  }
0x5d: {  	[hbm4b:s13+s21] =	stream.strided.scatter [tilespmem:s26], [sflag:$0x3], $0x1000, s23, s21, $0x38;
	[tilespmem:$0x1F000] =	vst v63  }
0x5e: {  	s12 =	simm.s32 $0x0;
	s7 =	ssub.s32 s9, s7;
	s9 =	sadd.s32 $0x8, s14  }
0x5f: {  	[tilespmem:s28], [sflag:$0x2] =	stream.indirect.gather [spmem:s3], $0x80, s21, s21, $0xb8;
	[tilespmem:$0x1F000] =	vst v63  }
0x60: {  	s7 =	sshll.u32 s7, $0xF;
	s13 =	simm.s32 $0x800;
	_ =	swait.ge [sflag:s29], $0x4000  }
0x61: {  	s1 =	sor.u32 s1, s7;
	s19 =	rddreg [dreg:$0x5];
	[sflag:s29] =	ssyncset.done $0x0  }
0x62: {  	s1 =	sshrl.u32 s1, $0x3;
	[sflag:s29] =	ssyncadd.s32 $0xFFFFC000;
	s7 =	sadd.s32 s15, s19  }
0x63: {  	[hbm4b:s7+s21] =	stream.strided.scatter [tilespmem:s28], [sflag:$0x4], $0x1000, s23, s21, $0x38;
	[tilespmem:$0x1F000] =	vst v63  }
0x64: {  	p2 =	slt.s32 s9, $0xFFFFFFFF;
	s1 =	sadd.s32 s15, s1;
	s17 =	rddreg [dreg:$0x7]  }
0x65: {  	[hbm4b:s1+s21] =	stream.strided.scatter [tilespmem:s30], [sflag:$0x4], $0x1000, s23, s21, $0x38;
	[tilespmem:$0x1F000] =	vst v63  }
0x66: {  	s20 =	sadd.s32 $0x1, s9;
	s17 =	sadd.s32 s15, s17;
	s19 =	rddreg [dreg:$0x18]  }
0x67: {  	[hbm4b:s17+s21] =	stream.strided.scatter [tilespmem:s31], [sflag:$0x4], $0x1000, s23, s21, $0x38;
	[tilespmem:$0x1F000] =	vst v63  }
0x68: {  	s7 =	sadd.s32 $0x1000, s15;
	s1 =	smov.u32 s15;
	s17 =	rddreg [dreg:$0x6]  }
.LBB2_2:
0x69: {  	s18 =	sadd.s32 s1, s17  }
0x6a: {  	p3 =	por !p4, !p4;
	s14 =	sshll.u32 s10, $0x7;
	s10 =	smov.u32 s13  }
0x6b: {  	[hbm4b:s18+s21] =	stream.strided.scatter [tilespmem:s2], [sflag:$0x4], $0x1000, s23, s21, $0x38;
	[tilespmem:$0x1F000] =	vst v63  }
0x6c: {  	s17 =	smov.u32 s9;
	s18 =	sand.u32 $0x7, s20;
	s20 =	simm.s32 $0x1  }
0x6d: {  	s9 =	sadd.s32 $0x8, s9;
	_ =	swait.ge [sflag:s0], $0x4000;
	s20 =	simm.s32 @!p3 $0x0  }
0x6e: {  	p5 =	sne.s32 s18, $0x0;
	p3 =	sne.s32 s13, $0x9400;
	s13 =	sadd.s32 $0x400, s13  }
0x6f: {  	s18 =	sshll.u32 s18, $0x7;
	[sflag:s0] =	ssyncset.done $0x0;
	s20 =	ssub.s32 s19, s20  }
0x70: {  	p2 =	por !p5, !p2;
	s19 =	sadd.s32 $0x1, s19;
	[sflag:s0] =	ssyncadd.s32 $0xFFFFC000  }
0x71: {  	[tilespmem:s22], [sflag:$0x1] =	stream.indirect.gather [spmem:s3], $0x80, s16, s21, $0xb8;
	[tilespmem:$0x1F000] =	vst v63  }
0x72: {  	s20 =	sshll.u32 s20, $0xF;
	p2 =	por !p2, !p2;
	s16 =	simm.s32 $0x1  }
0x73: {  	s14 =	sor.u32 s14, s20;
	_ =	swait.ge [sflag:s6], $0x4000;
	s16 =	simm.s32 @!p2 $0x0  }
0x74: {  	s14 =	sshrl.u32 s14, $0x3;
	s20 =	rddreg [dreg:$0x8];
	[sflag:s6] =	ssyncset.done $0x0  }
0x75: {  	s16 =	ssub.s32 s11, s16;
	[sflag:s6] =	ssyncadd.s32 $0xFFFFC000;
	s20 =	sadd.s32 s1, s20  }
0x76: {  	[hbm4b:s20+s21] =	stream.strided.scatter [tilespmem:s22], [sflag:$0x3], $0x1000, s23, s21, $0x38;
	[tilespmem:$0x1F000] =	vst v63  }
0x77: {  	s5 =	rddreg [dreg:$0xa];
	s14 =	sadd.s32 s15, s14;
	s16 =	sshll.u32 s16, $0xF  }
0x78: {  	[hbm4b:s14+s21] =	stream.strided.scatter [tilespmem:s24], [sflag:$0x3], $0x1000, s23, s21, $0x38;
	[tilespmem:$0x1F000] =	vst v63  }
0x79: {  	s5 =	sadd.s32 s1, s5;
	s16 =	sor.u32 s18, s16;
	s20 =	rddreg [dreg:$0x9]  }
0x7a: {  	[hbm4b:s5+s21] =	stream.strided.scatter [tilespmem:s25], [sflag:$0x3], $0x1000, s23, s21, $0x38;
	[tilespmem:$0x1F000] =	vst v63  }
0x7b: {  	p2 =	slt.s32 s9, $0xFFFFFFFF;
	s14 =	sshrl.u32 s16, $0x3;
	s16 =	sadd.s32 s1, s20  }
0x7c: {  	[hbm4b:s16+s21] =	stream.strided.scatter [tilespmem:s26], [sflag:$0x3], $0x1000, s23, s21, $0x38;
	[tilespmem:$0x1F000] =	vst v63  }
0x7d: {  	s11 =	sadd.s32 $0x1, s11;
	s18 =	sadd.s32 $0x180, s12;
	_ =	swait.ge [sflag:s4], $0x4000  }
0x7e: {  	s12 =	sshra.s32 s8, $0x2;
	s8 =	smov.u32 s10;
	[sflag:s4] =	ssyncset.done $0x0  }
0x7f: {  	s1 =	smov.u32 s7;
	s7 =	sadd.s32 $0x1000, s7;
	[sflag:s4] =	ssyncadd.s32 $0xFFFFC000  }
0x80: {  	[tilespmem:s28], [sflag:$0x2] =	stream.indirect.gather [spmem:s3], $0x80, s18, s21, $0xb8;
	[tilespmem:$0x1F000] =	vst v63  }
0x81: {  	s20 =	sadd.s32 $0x4, s17;
	s17 =	sadd.s32 $0x5, s17;
	_ =	swait.ge [sflag:s29], $0x4000  }
0x82: {  	p6 =	slt.s32 s20, $0xFFFFFFFF;
	s5 =	rddreg [dreg:$0x5];
	[sflag:s29] =	ssyncset.done $0x0  }
0x83: {  	s10 =	sand.u32 $0x7, s17;
	[sflag:s29] =	ssyncadd.s32 $0xFFFFC000;
	s5 =	sadd.s32 s1, s5  }
0x84: {  	[hbm4b:s5+s21] =	stream.strided.scatter [tilespmem:s28], [sflag:$0x4], $0x1000, s23, s21, $0x38;
	[tilespmem:$0x1F000] =	vst v63  }
.Ltmp0:
0x85: {  	s14 =	sadd.s32 s15, s14;
	p5 =	sne.s32 s10, $0x0;
	(pc) =	sbr.rel @p3 .LBB2_2-.Ltmp0, $4  }
0x86: {  	s20 =	sadd.s32 $0x1, s9;
	p4 =	por !p5, !p6;
	s18 =	rddreg [dreg:$0x7]  }
0x87: {  	[hbm4b:s14+s21] =	stream.strided.scatter [tilespmem:s30], [sflag:$0x4], $0x1000, s23, s21, $0x38;
	[tilespmem:$0x1F000] =	vst v63  }
0x88: {  	s16 =	sadd.s32 $0x100, s12;
	s17 =	rddreg [dreg:$0x6];
	s18 =	sadd.s32 s1, s18  }
0x89: {  	[hbm4b:s18+s21] =	stream.strided.scatter [tilespmem:s31], [sflag:$0x4], $0x1000, s23, s21, $0x38;
	[tilespmem:$0x1F000] =	vst v63  }
0x8a: {  	s5 =	sadd.s32 s1, s17  }
0x8b: {  	[hbm4b:s5+s21] =	stream.strided.scatter [tilespmem:s2], [sflag:$0x4], $0x1000, s23, s21, $0x38;
	[tilespmem:$0x1F000] =	vst v63  }
0x8c: {  	p3 =	por !p4, !p4;
	s5 =	simm.s32 $0x1;
	_ =	swait.ge [sflag:s0], $0x4000  }
0x8d: {  	s5 =	simm.s32 @!p3 $0x0;
	[sflag:s0] =	ssyncset.done $0x0  }
0x8e: {  	s5 =	ssub.s32 s19, s5;
	[sflag:s0] =	ssyncadd.s32 $0xFFFFC000  }
0x8f: {  	[tilespmem:s22], [sflag:$0x1] =	stream.indirect.gather [spmem:s3], $0x80, s16, s21, $0xb8;
	[tilespmem:$0x1F000] =	vst v63  }
0x90: {  	s10 =	sshll.u32 s10, $0x7;
	s5 =	sshll.u32 s5, $0xF;
	_ =	swait.ge [sflag:s6], $0x4000  }
0x91: {  	s5 =	sor.u32 s10, s5;
	s13 =	rddreg [dreg:$0x8];
	[sflag:s6] =	ssyncset.done $0x0  }
0x92: {  	s5 =	sshrl.u32 s5, $0x3;
	[sflag:s6] =	ssyncadd.s32 $0xFFFFC000;
	s18 =	sadd.s32 s1, s13  }
0x93: {  	[hbm4b:s18+s21] =	stream.strided.scatter [tilespmem:s22], [sflag:$0x3], $0x1000, s23, s21, $0x38;
	[tilespmem:$0x1F000] =	vst v63  }
0x94: {  	s17 =	sand.u32 $0x7, s20;
	s5 =	sadd.s32 s15, s5;
	s13 =	rddreg [dreg:$0xa]  }
0x95: {  	[hbm4b:s5+s21] =	stream.strided.scatter [tilespmem:s24], [sflag:$0x3], $0x1000, s23, s21, $0x38;
	[tilespmem:$0x1F000] =	vst v63  }
0x96: {  	p4 =	sne.s32 s17, $0x0;
	s14 =	rddreg [dreg:$0x9];
	s10 =	sadd.s32 s1, s13  }
0x97: {  	[hbm4b:s10+s21] =	stream.strided.scatter [tilespmem:s25], [sflag:$0x3], $0x1000, s23, s21, $0x38;
	[tilespmem:$0x1F000] =	vst v63  }
0x98: {  	p2 =	por !p4, !p2;
	s16 =	sadd.s32 s1, s14  }
0x99: {  	[hbm4b:s16+s21] =	stream.strided.scatter [tilespmem:s26], [sflag:$0x3], $0x1000, s23, s21, $0x38;
	[tilespmem:$0x1F000] =	vst v63  }
0x9a: {  	p2 =	por !p2, !p2;
	s5 =	simm.s32 $0x1;
	_ =	swait.ge [sflag:s4], $0x4000  }
0x9b: {  	s5 =	simm.s32 @!p2 $0x0;
	[sflag:s4] =	ssyncset.done $0x0  }
0x9c: {  	s18 =	sadd.s32 $0x180, s12;
	s5 =	ssub.s32 s11, s5;
	[sflag:s4] =	ssyncadd.s32 $0xFFFFC000  }
0x9d: {  	[tilespmem:s28], [sflag:$0x2] =	stream.indirect.gather [spmem:s3], $0x80, s18, s21, $0xb8;
	[tilespmem:$0x1F000] =	vst v63  }
0x9e: {  	s1 =	sshll.u32 s17, $0x7;
	s5 =	sshll.u32 s5, $0xF;
	_ =	swait.ge [sflag:s29], $0x4000  }
0x9f: {  	s1 =	sor.u32 s1, s5;
	s20 =	rddreg [dreg:$0x5];
	[sflag:s29] =	ssyncset.done $0x0  }
0xa0: {  	s1 =	sshrl.u32 s1, $0x3;
	[sflag:s29] =	ssyncadd.s32 $0xFFFFC000;
	s11 =	sadd.s32 s7, s20  }
0xa1: {  	[hbm4b:s11+s21] =	stream.strided.scatter [tilespmem:s28], [sflag:$0x4], $0x1000, s23, s21, $0x38;
	[tilespmem:$0x1F000] =	vst v63  }
0xa2: {  	s1 =	sadd.s32 s15, s1;
	s12 =	rddreg [dreg:$0x7]  }
0xa3: {  	[hbm4b:s1+s21] =	stream.strided.scatter [tilespmem:s30], [sflag:$0x4], $0x1000, s23, s21, $0x38;
	[tilespmem:$0x1F000] =	vst v63  }
0xa4: {  	s16 =	sadd.s32 $0x5, s9;
	s5 =	sadd.s32 s7, s12  }
0xa5: {  	[hbm4b:s5+s21] =	stream.strided.scatter [tilespmem:s31], [sflag:$0x4], $0x1000, s23, s21, $0x38;
	[tilespmem:$0x1F000] =	vst v63  }
0xa6: {  	s17 =	sadd.s32 $0x4, s9;
	s13 =	rddreg [dreg:$0x6];
	s5 =	sand.u32 $0x7, s16  }
0xa7: {  	p5 =	slt.s32 s17, $0xFFFFFFFF;
	s1 =	sadd.s32 s7, s13;
	p6 =	sne.s32 s5, $0x0  }
0xa8: {  	[hbm4b:s1+s21] =	stream.strided.scatter [tilespmem:s2], [sflag:$0x4], $0x1000, s23, s21, $0x38;
	[tilespmem:$0x1F000] =	vst v63  }
0xa9: {  	s14 =	sshra.s32 s8, $0x2;
	p2 =	por !p6, !p5  }
0xaa: {  	s8 =	simm.s32 $0x1;
	_ =	swait.ge [sflag:s0], $0x4000;
	p2 =	por !p2, !p2  }
0xab: {  	s20 =	sadd.s32 $0x1, s19;
	[sflag:s0] =	ssyncset.done $0x0;
	s8 =	simm.s32 @!p2 $0x0  }
0xac: {  	s18 =	sadd.s32 $0x100, s14;
	[sflag:s0] =	ssyncadd.s32 $0xFFFFC000;
	s8 =	ssub.s32 s20, s8  }
0xad: {  	[tilespmem:s22], [sflag:$0x1] =	stream.indirect.gather [spmem:s3], $0x80, s18, s21, $0xb8;
	[tilespmem:$0x1F000] =	vst v63  }
0xae: {  	s5 =	sshll.u32 s5, $0x7;
	s8 =	sshll.u32 s8, $0xF;
	_ =	swait.ge [sflag:s6], $0x4000  }
0xaf: {  	s5 =	sor.u32 s5, s8;
	s10 =	rddreg [dreg:$0x8];
	[sflag:s6] =	ssyncset.done $0x0  }
0xb0: {  	s5 =	sshrl.u32 s5, $0x3;
	[sflag:s6] =	ssyncadd.s32 $0xFFFFC000;
	s11 =	sadd.s32 s7, s10  }
0xb1: {  	[hbm4b:s11+s21] =	stream.strided.scatter [tilespmem:s22], [sflag:$0x3], $0x1000, s23, s21, $0x38;
	[tilespmem:$0x1F000] =	vst v63  }
0xb2: {  	s12 =	rddreg [dreg:$0xa];
	s5 =	sadd.s32 s15, s5  }
0xb3: {  	[hbm4b:s5+s21] =	stream.strided.scatter [tilespmem:s24], [sflag:$0x3], $0x1000, s23, s21, $0x38;
	[tilespmem:$0x1F000] =	vst v63  }
0xb4: {  	s13 =	rddreg [dreg:$0x9];
	s8 =	sadd.s32 s7, s12  }
0xb5: {  	[hbm4b:s8+s21] =	stream.strided.scatter [tilespmem:s25], [sflag:$0x3], $0x1000, s23, s21, $0x38;
	[tilespmem:$0x1F000] =	vst v63  }
0xb6: {  	s5 =	sadd.s32 s7, s13  }
0xb7: {  	[hbm4b:s5+s21] =	stream.strided.scatter [tilespmem:s26], [sflag:$0x3], $0x1000, s23, s21, $0x38;
	[tilespmem:$0x1F000] =	vst v63  }
0xb8: {  	_ =	swait.ge [sflag:s4], $0x4000  }
0xb9: {  	[sflag:s4] =	ssyncset.done $0x0  }
0xba: {  	s1 =	sadd.s32 $0x180, s14;
	[sflag:s4] =	ssyncadd.s32 $0xFFFFC000  }
0xbb: {  	[tilespmem:s28], [sflag:$0x2] =	stream.indirect.gather [spmem:s3], $0x80, s1, s21, $0xb8;
	[tilespmem:$0x1F000] =	vst v63  }
0xbc: {  	_ =	swait.ge [sflag:s29], $0x4000  }
0xbd: {  	[sflag:s29] =	ssyncset.done $0x0  }
0xbe: {  	s14 =	rddreg [dreg:$0x10];
	[sflag:s29] =	ssyncadd.s32 $0xFFFFC000  }
0xbf: {  	[hbm4b:s14+s21] =	stream.strided.scatter [tilespmem:s28], [sflag:$0x4], $0x1000, s23, s21, $0x38;
	[tilespmem:$0x1F000] =	vst v63  }
0xc0: {  	s16 =	rddreg [dreg:$0x11]  }
0xc1: {  	[hbm4b:s16+s21] =	stream.strided.scatter [tilespmem:s30], [sflag:$0x4], $0x1000, s23, s21, $0x38;
	[tilespmem:$0x1F000] =	vst v63  }
0xc2: {  	s17 =	rddreg [dreg:$0x12]  }
0xc3: {  	[hbm4b:s17+s21] =	stream.strided.scatter [tilespmem:s31], [sflag:$0x4], $0x1000, s23, s21, $0x38;
	[tilespmem:$0x1F000] =	vst v63  }
0xc4: {  	s18 =	rddreg [dreg:$0x14]  }
0xc5: {  	[hbm4b:s18+s21] =	stream.strided.scatter [tilespmem:s2], [sflag:$0x4], $0x1000, s23, s21, $0x38;
	[tilespmem:$0x1F000] =	vst v63  }
0xc6: {  	_ =	swait.ge [sflag:s0], $0x4000  }
0xc7: {  	[sflag:s0] =	ssyncset.done $0x0  }
0xc8: {  	[sflag:s0] =	ssyncadd.s32 $0xFFFFC000  }
0xc9: {  	_ =	swait.ge [sflag:s4], $0x4000  }
0xca: {  	[sflag:s4] =	ssyncset.done $0x0  }
0xcb: {  	s1 =	simm.s32 @!p1 $0x5;
	[sflag:s4] =	ssyncadd.s32 $0xFFFFC000  }
0xcc: {  	_ =	swait.ge @!p1 [sflag:s1], $0x1000  }
0xcd: {  	s7 =	simm.s32 @!p1 $0xA780;
	s5 =	simm.s32 @!p1 $0x400;
	[sflag:s1] =	ssyncset.done @!p1 $0x0  }
0xce: {  	s8 =	rddreg [dreg:$0x15];
	[sflag:s1] =	ssyncadd.s32 @!p1 $0xFFFFF000;
	s1 =	simm.s32 @!p1 $0x80  }
0xcf: {  	[hbm4b:s8+s1] =	stream.strided.scatter @!p1 [tilespmem:s7], [sflag:$0x7], $0x1000, s5, s1, $0x38;
	[tilespmem:$0x1F000] =	vst v63  }
0xd0: {  	s1 =	simm.s32 @!p1 $0x7  }
0xd1: {  	_ =	swait.ge @!p1 [sflag:s1], $0x1000  }
0xd2: {  	s19 =	rddreg [dreg:$0x19]  }
0xd3: {  	s20 =	rddreg [dreg:$0x16];
	s7 =	sadd.s32 $0x1, s19  }
0xd4: {  	p2 =	sne.s32 s7, s20  }
.Ltmp1:
0xd5: {  	_ = 	snop;
	(pc) =	sbr.rel @p2 .LBB2_1-.Ltmp1, $3  }
0xd6: {  	_ =	sdelay $0x1  }
0xd7: {  	[sflag:s1] =	ssyncset.done @!p1 $0x0  }
0xd8: {  	[sflag:s1] =	ssyncadd.s32 @!p1 $0xFFFFF000  }
0xd9: {  	_ =	sfence.sel $0x180000  }
0xda: {  	[bflag:$0x0] =	sbarrier.arrive $0xFFFF  }
0xdb: {  	_ =	strace $0x90000047  }
0xdc: {  	[bflag:$0x2] =	sbarrier.arrive $0xFFFF  }
0xdd: {  	s0 =	rddreg [dreg:$0x4]  }
0xde: {  	s0 =	sadd.s32 @!p0 $0x100000, s0  }
0xdf: {  	[sflag:s0] =	ssyncadd.tile.s32 @!p0 $0x1;
	_ =	shalt  }
.Lfunc_end2:
_tile_overlayer_lowered:
.L_overlay_start_2:
0xe0: {  	(tag) =	ssettag $0x2  }
0xe1: {  	s0 =	rddreg [dreg:$0x0];
	s2 =	stileid.u32  }
0xe2: {  	s1 =	rddreg [dreg:$0x1];
	p0 =	sne.s32 s2, $0x0  }
0xe3: {  	s3 =	rddreg [dreg:$0x2];
	[bflag:$0x3] =	sbarrier.arrive $0xFFFF;
	s2 =	simm.s32 @!p0 $0x1C07  }
0xe4: {  	[timem:s3], [sflag:s2] =	dma.local @!p0 [hbm:s0], s1  }
0xe5: {  	s0 =	simm.s32 @!p0 $0x7  }
0xe6: {  	_ =	swait.ge @!p0 [sflag:s0], s1  }
0xe7: {  	s1 =	ssub.s32 @!p0 $0x0, s1;
	[sflag:s0] =	ssyncset.done @!p0 $0x0  }
0xe8: {  	[sflag:s0] =	ssyncadd.s32 @!p0 s1  }
0xe9: {  	[bflag:$0x3] =	sbarrier.arrive $0xFFFF  }
0xea: {  	_ =	shalt  }

</sc_bundles>
